<compile_context>
chip_gen: v7x
topology: tpu7x:2x2x1
jax: 0.10.2.dev20260603
libtpu: 0.0.44.dev20260713+nightly
codegen_flags: <defaults>
</compile_context>

<pallas_src>
import functools

import jax
import jax.numpy as jnp
from jax import lax
from jax.experimental import pallas as pl
from jax.experimental.pallas import tpu as pltpu
from jax.experimental.pallas import tpu_sc as plsc

VOCAB = 32000
D_MODEL = 2048
B = 4
S = 4096

NUM_TOKENS = B * S
NC = 2
NS = 16
NW = NC * NS
TOK_PER_W = NUM_TOKENS // NW
CHUNK = 16
NCHUNK = TOK_PER_W // CHUNK
NBUF = 3


def _gather_kernel(ids_hbm, table_hbm, out_hbm, idx_v, buf0, buf1, buf2,
                   gsem0, gsem1, gsem2, ssem0, ssem1, ssem2):
  wid = lax.axis_index("s") * NC + lax.axis_index("c")
  base = wid * TOK_PER_W

  bufs = (buf0, buf1, buf2)
  gsems = (gsem0, gsem1, gsem2)
  ssems = (ssem0, ssem1, ssem2)

  pltpu.sync_copy(ids_hbm.at[wid], idx_v)

  def out_slice(i):
    return out_hbm.at[pl.ds(base + i * CHUNK, CHUNK), :]

  def issue_g(i, b):
    pltpu.async_copy(table_hbm.at[idx_v.at[i]], bufs[b], gsems[b])

  def wait_g(i, b):
    pltpu.make_async_copy(table_hbm.at[idx_v.at[i]], bufs[b],
                          gsems[b]).wait()

  def issue_s(i, b):
    pltpu.async_copy(bufs[b], out_slice(i), ssems[b])

  def wait_s(i, b):
    pltpu.make_async_copy(bufs[b], out_slice(i), ssems[b]).wait()

  for b in range(NBUF):
    issue_g(b, b)

  wait_g(0, 0)
  issue_s(0, 0)
  for i in (1, 2):
    b = i % NBUF
    wait_g(i, b)
    issue_s(i, b)
    wait_s(i - 1, (i - 1) % NBUF)
    issue_g(i + 2, (i + 2) % NBUF)

  def body(g, carry):
    for b in range(NBUF):
      i = g * NBUF + b
      wait_g(i, b)
      issue_s(i, b)
      wait_s(i - 1, (b - 1) % NBUF)
      issue_g(i + 2, (b + 2) % NBUF)
    return carry

  lax.fori_loop(1, NCHUNK // NBUF, body, 0)

  for i in (NCHUNK - 2, NCHUNK - 1):
    b = i % NBUF
    wait_g(i, b)
    issue_s(i, b)
    wait_s(i - 1, (i - 1) % NBUF)
  wait_s(NCHUNK - 1, (NCHUNK - 1) % NBUF)


@jax.jit
def _embed(ids_flat, weight):
  mesh = plsc.VectorSubcoreMesh(core_axis_name="c", subcore_axis_name="s")
  k = functools.partial(
      pl.kernel,
      mesh=mesh,
      out_type=jax.ShapeDtypeStruct((NUM_TOKENS, D_MODEL), jnp.float32),
      scratch_types=(
          [pltpu.VMEM((NCHUNK, CHUNK), jnp.int32)]
          + [pltpu.VMEM((CHUNK, D_MODEL), jnp.float32)] * NBUF
          + [pltpu.SemaphoreType.DMA] * (2 * NBUF)
      ),
  )(_gather_kernel)
  ids3 = ids_flat.reshape(NW, NCHUNK, CHUNK)
  return k(ids3, weight)


def kernel(input_ids, attention_mask, labels, weight):
  batch_size, seq_length = input_ids.shape
  position_ids = jnp.arange(seq_length, dtype=jnp.int32)[None, :]
  ids_flat = input_ids.astype(jnp.int32).reshape(-1)
  hidden = _embed(ids_flat, weight).reshape(batch_size, seq_length, D_MODEL)
  return (hidden, attention_mask, position_ids, labels)

# --- scband reference (transcript-rebuilt; emitter-appended) ---
"""Pipeline reference for scband-embedding-pipe-layer-11905649344883 (READ-ONLY COPY).

The authoritative reference and input builder live on the scoring server;
editing this copy changes nothing except your own understanding.
"""

import jax, jax.numpy as jnp
import numpy as np

VOCAB = 32000
D_MODEL = 2048
B = 4
S = 4096

def setup_inputs(seed: int = 0) -> dict:
    key = jax.random.key(seed)
    k1, k2, k3 = jax.random.split(key, 3)
    input_ids = jax.random.randint(k1, (B, S), 0, VOCAB, dtype=jnp.int64 if jax.config.read('jax_enable_x64') else jnp.int32)
    attention_mask = jnp.ones((B, S), dtype=jnp.int32)
    labels = jax.random.randint(k2, (B, S), 0, VOCAB, dtype=jnp.int32)
    weight = jax.random.normal(k3, (VOCAB, D_MODEL), dtype=jnp.float32) * 0.02
    return {"input_ids": input_ids, "attention_mask": attention_mask, "labels": labels, "weight": weight}

def reference(input_ids, attention_mask, labels, weight):
    batch_size, seq_length = input_ids.shape
    past_key_values_length = 0
    position_ids = jnp.arange(past_key_values_length, seq_length + past_key_values_length, dtype=jnp.int32)
    position_ids = position_ids[None, :].reshape(-1, seq_length)
    # embedding lookup: gather rows of the table
    inputs_embeds = jnp.take(weight, input_ids, axis=0)
    hidden_states = inputs_embeds
    return (hidden_states, attention_mask, position_ids, labels)

if __name__ == "__main__":
    import jax
    _d = setup_inputs()
    print(jax.jit(kernel)(*tuple(_d.values())))

</pallas_src>

<mosaic_0001>
#map = affine_map<(d0, d1) -> (0, 0, 0)>
#map1 = affine_map<(d0, d1) -> (0, 0)>
module attributes {stable_mosaic.version = 14 : i64} {
  func.func @_gather_kernel(%arg0: i32, %arg1: i32, %arg2: memref<32x32x16xi32, #tpu.memory_space<hbm>>, %arg3: memref<32000x2048xf32, #tpu.memory_space<hbm>>, %arg4: memref<16384x2048xf32, #tpu.memory_space<hbm>>, %arg5: memref<32x16xi32, #tpu.memory_space<vmem>>, %arg6: memref<16x2048xf32, #tpu.memory_space<vmem>>, %arg7: memref<16x2048xf32, #tpu.memory_space<vmem>>, %arg8: memref<16x2048xf32, #tpu.memory_space<vmem>>, %arg9: memref<!tpu.dma_semaphore, #tpu.memory_space<semaphore_mem>>, %arg10: memref<!tpu.dma_semaphore, #tpu.memory_space<semaphore_mem>>, %arg11: memref<!tpu.dma_semaphore, #tpu.memory_space<semaphore_mem>>, %arg12: memref<!tpu.dma_semaphore, #tpu.memory_space<semaphore_mem>>, %arg13: memref<!tpu.dma_semaphore, #tpu.memory_space<semaphore_mem>>, %arg14: memref<!tpu.dma_semaphore, #tpu.memory_space<semaphore_mem>>) attributes {dimension_semantics = [#tpu.dimension_semantics<core_parallel>, #tpu.dimension_semantics<subcore_parallel>], iteration_bounds = array<i64: 2, 16>, scalar_prefetch = 0 : i64, scratch_operands = 10 : i64, tpu.core_type = #tpu.core_type<sc_vector_subcore>, window_params = [{transform_indices = #map}, {transform_indices = #map1}, {transform_indices = #map1}]} {
    %mul3A = arith.constant 2 : i32
    %mul3A_0 = arith.muli %arg1, %mul3A : i32
    %add3A = arith.addi %mul3A_0, %arg0 : i32
    %mul3A_1 = arith.constant 512 : i32
    %mul3A_2 = arith.muli %add3A, %mul3A_1 : i32
    "tpu.region"() ({
      %run_scoped3A = tpu.sem_alloc : memref<!tpu.dma_semaphore, #tpu.memory_space<semaphore_mem>>
      %dma_start3A_136 = arith.constant 0 : i32
      %dma_start3A_137 = arith.constant 0 : i32
      %dma_start3A_138 = tpu.memref_slice %arg2[%add3A, %dma_start3A_136, %dma_start3A_137] : memref<32x32x16xi32, #tpu.memory_space<hbm>> -> memref<1x32x16xi32, #tpu.memory_space<hbm>>
      %dma_start3A_139 = tpu.memref_squeeze %dma_start3A_138 : memref<1x32x16xi32, #tpu.memory_space<hbm>> -> memref<32x16xi32, #tpu.memory_space<hbm>>
      %dma_start3A_140 = arith.constant 0 : i32
      %dma_start3A_141 = arith.constant 0 : i32
      %dma_start3A_142 = tpu.memref_slice %arg2[%add3A, %dma_start3A_140, %dma_start3A_141] : memref<32x32x16xi32, #tpu.memory_space<hbm>> -> memref<1x32x16xi32, #tpu.memory_space<hbm>>
      %dma_start3A_143 = tpu.memref_squeeze %dma_start3A_142 : memref<1x32x16xi32, #tpu.memory_space<hbm>> -> memref<32x16xi32, #tpu.memory_space<hbm>>
      tpu.enqueue_dma source(%dma_start3A_143 : memref<32x16xi32, #tpu.memory_space<hbm>>) target(%arg5 : memref<32x16xi32, #tpu.memory_space<vmem>>) target_semaphore(%run_scoped3A : memref<!tpu.dma_semaphore, #tpu.memory_space<semaphore_mem>>)
      %dma_wait3A_144 = arith.constant 0 : i32
      %dma_wait3A_145 = arith.constant 0 : i32
      %dma_wait3A_146 = tpu.memref_slice %arg2[%add3A, %dma_wait3A_144, %dma_wait3A_145] : memref<32x32x16xi32, #tpu.memory_space<hbm>> -> memref<1x32x16xi32, #tpu.memory_space<hbm>>
      %dma_wait3A_147 = tpu.memref_squeeze %dma_wait3A_146 : memref<1x32x16xi32, #tpu.memory_space<hbm>> -> memref<32x16xi32, #tpu.memory_space<hbm>>
      %dma_wait3A_148 = arith.constant 0 : i32
      %dma_wait3A_149 = arith.constant 0 : i32
      %dma_wait3A_150 = tpu.memref_slice %arg2[%add3A, %dma_wait3A_148, %dma_wait3A_149] : memref<32x32x16xi32, #tpu.memory_space<hbm>> -> memref<1x32x16xi32, #tpu.memory_space<hbm>>
      %dma_wait3A_151 = tpu.memref_squeeze %dma_wait3A_150 : memref<1x32x16xi32, #tpu.memory_space<hbm>> -> memref<32x16xi32, #tpu.memory_space<hbm>>
      tpu.wait_dma2 semaphore(%run_scoped3A : memref<!tpu.dma_semaphore, #tpu.memory_space<semaphore_mem>>) src(%dma_wait3A_151 : memref<32x16xi32, #tpu.memory_space<hbm>>) dst(%arg5 : memref<32x16xi32, #tpu.memory_space<vmem>>)
      tpu.yield
    }) : () -> ()
    %dma_start3A = arith.constant 0 : i32
    %dma_start3A_3 = arith.constant 0 : i32
    %dma_start3A_4 = tpu.memref_slice %arg5[%dma_start3A, %dma_start3A_3] : memref<32x16xi32, #tpu.memory_space<vmem>> -> memref<1x16xi32, #tpu.memory_space<vmem>>
    %dma_start3A_5 = tpu.memref_squeeze %dma_start3A_4 : memref<1x16xi32, #tpu.memory_space<vmem>> -> memref<16xi32, #tpu.memory_space<vmem>>
    %dma_start3A_6 = arith.constant 0 : i32
    %dma_start3A_7 = arith.constant 0 : i32
    %dma_start3A_8 = tpu.memref_slice %arg3[%dma_start3A_6, %dma_start3A_7] : memref<32000x2048xf32, #tpu.memory_space<hbm>> -> memref<32000x2048xf32, #tpu.memory_space<hbm>>
    tpu.enqueue_indirect_dma source(%dma_start3A_8 : memref<32000x2048xf32, #tpu.memory_space<hbm>>) target(%arg6 : memref<16x2048xf32, #tpu.memory_space<vmem>>) offsets(%dma_start3A_5 : memref<16xi32, #tpu.memory_space<vmem>>) semaphore(%arg9 : memref<!tpu.dma_semaphore, #tpu.memory_space<semaphore_mem>>)
    %dma_start3A_9 = arith.constant 1 : i32
    %dma_start3A_10 = arith.constant 0 : i32
    %dma_start3A_11 = tpu.memref_slice %arg5[%dma_start3A_9, %dma_start3A_10] : memref<32x16xi32, #tpu.memory_space<vmem>> -> memref<1x16xi32, #tpu.memory_space<vmem>>
    %dma_start3A_12 = tpu.memref_squeeze %dma_start3A_11 : memref<1x16xi32, #tpu.memory_space<vmem>> -> memref<16xi32, #tpu.memory_space<vmem>>
    %dma_start3A_13 = arith.constant 0 : i32
    %dma_start3A_14 = arith.constant 0 : i32
    %dma_start3A_15 = tpu.memref_slice %arg3[%dma_start3A_13, %dma_start3A_14] : memref<32000x2048xf32, #tpu.memory_space<hbm>> -> memref<32000x2048xf32, #tpu.memory_space<hbm>>
    tpu.enqueue_indirect_dma source(%dma_start3A_15 : memref<32000x2048xf32, #tpu.memory_space<hbm>>) target(%arg7 : memref<16x2048xf32, #tpu.memory_space<vmem>>) offsets(%dma_start3A_12 : memref<16xi32, #tpu.memory_space<vmem>>) semaphore(%arg10 : memref<!tpu.dma_semaphore, #tpu.memory_space<semaphore_mem>>)
    %dma_start3A_16 = arith.constant 2 : i32
    %dma_start3A_17 = arith.constant 0 : i32
    %dma_start3A_18 = tpu.memref_slice %arg5[%dma_start3A_16, %dma_start3A_17] : memref<32x16xi32, #tpu.memory_space<vmem>> -> memref<1x16xi32, #tpu.memory_space<vmem>>
    %dma_start3A_19 = tpu.memref_squeeze %dma_start3A_18 : memref<1x16xi32, #tpu.memory_space<vmem>> -> memref<16xi32, #tpu.memory_space<vmem>>
    %dma_start3A_20 = arith.constant 0 : i32
    %dma_start3A_21 = arith.constant 0 : i32
    %dma_start3A_22 = tpu.memref_slice %arg3[%dma_start3A_20, %dma_start3A_21] : memref<32000x2048xf32, #tpu.memory_space<hbm>> -> memref<32000x2048xf32, #tpu.memory_space<hbm>>
    tpu.enqueue_indirect_dma source(%dma_start3A_22 : memref<32000x2048xf32, #tpu.memory_space<hbm>>) target(%arg8 : memref<16x2048xf32, #tpu.memory_space<vmem>>) offsets(%dma_start3A_19 : memref<16xi32, #tpu.memory_space<vmem>>) semaphore(%arg11 : memref<!tpu.dma_semaphore, #tpu.memory_space<semaphore_mem>>)
    %dma_wait3A = arith.constant 0 : i32
    %dma_wait3A_23 = arith.constant 0 : i32
    %dma_wait3A_24 = tpu.memref_slice %arg5[%dma_wait3A, %dma_wait3A_23] : memref<32x16xi32, #tpu.memory_space<vmem>> -> memref<1x16xi32, #tpu.memory_space<vmem>>
    %dma_wait3A_25 = tpu.memref_squeeze %dma_wait3A_24 : memref<1x16xi32, #tpu.memory_space<vmem>> -> memref<16xi32, #tpu.memory_space<vmem>>
    %dma_wait3A_26 = arith.constant 0 : i32
    %dma_wait3A_27 = arith.constant 0 : i32
    %dma_wait3A_28 = tpu.memref_slice %arg3[%dma_wait3A_26, %dma_wait3A_27] : memref<32000x2048xf32, #tpu.memory_space<hbm>> -> memref<32000x2048xf32, #tpu.memory_space<hbm>>
    tpu.wait_indirect_dma semaphore(%arg9 : memref<!tpu.dma_semaphore, #tpu.memory_space<semaphore_mem>>) src(%dma_wait3A_28 : memref<32000x2048xf32, #tpu.memory_space<hbm>>) dst(%arg6 : memref<16x2048xf32, #tpu.memory_space<vmem>>)
    %add3A_29 = arith.constant 0 : i32
    %add3A_30 = arith.addi %mul3A_2, %add3A_29 : i32
    %dma_start3A_31 = arith.constant 0 : i32
    %dma_start3A_32 = tpu.memref_slice %arg4[%add3A_30, %dma_start3A_31] : memref<16384x2048xf32, #tpu.memory_space<hbm>> -> memref<16x2048xf32, #tpu.memory_space<hbm>>
    %dma_start3A_33 = arith.constant 0 : i32
    %dma_start3A_34 = tpu.memref_slice %arg4[%add3A_30, %dma_start3A_33] : memref<16384x2048xf32, #tpu.memory_space<hbm>> -> memref<16x2048xf32, #tpu.memory_space<hbm>>
    tpu.enqueue_dma source(%arg6 : memref<16x2048xf32, #tpu.memory_space<vmem>>) target(%dma_start3A_34 : memref<16x2048xf32, #tpu.memory_space<hbm>>) target_semaphore(%arg12 : memref<!tpu.dma_semaphore, #tpu.memory_space<semaphore_mem>>)
    %dma_wait3A_35 = arith.constant 1 : i32
    %dma_wait3A_36 = arith.constant 0 : i32
    %dma_wait3A_37 = tpu.memref_slice %arg5[%dma_wait3A_35, %dma_wait3A_36] : memref<32x16xi32, #tpu.memory_space<vmem>> -> memref<1x16xi32, #tpu.memory_space<vmem>>
    %dma_wait3A_38 = tpu.memref_squeeze %dma_wait3A_37 : memref<1x16xi32, #tpu.memory_space<vmem>> -> memref<16xi32, #tpu.memory_space<vmem>>
    %dma_wait3A_39 = arith.constant 0 : i32
    %dma_wait3A_40 = arith.constant 0 : i32
    %dma_wait3A_41 = tpu.memref_slice %arg3[%dma_wait3A_39, %dma_wait3A_40] : memref<32000x2048xf32, #tpu.memory_space<hbm>> -> memref<32000x2048xf32, #tpu.memory_space<hbm>>
    tpu.wait_indirect_dma semaphore(%arg10 : memref<!tpu.dma_semaphore, #tpu.memory_space<semaphore_mem>>) src(%dma_wait3A_41 : memref<32000x2048xf32, #tpu.memory_space<hbm>>) dst(%arg7 : memref<16x2048xf32, #tpu.memory_space<vmem>>)
    %add3A_42 = arith.constant 16 : i32
    %add3A_43 = arith.addi %mul3A_2, %add3A_42 : i32
    %dma_start3A_44 = arith.constant 0 : i32
    %dma_start3A_45 = tpu.memref_slice %arg4[%add3A_43, %dma_start3A_44] : memref<16384x2048xf32, #tpu.memory_space<hbm>> -> memref<16x2048xf32, #tpu.memory_space<hbm>>
    %dma_start3A_46 = arith.constant 0 : i32
    %dma_start3A_47 = tpu.memref_slice %arg4[%add3A_43, %dma_start3A_46] : memref<16384x2048xf32, #tpu.memory_space<hbm>> -> memref<16x2048xf32, #tpu.memory_space<hbm>>
    tpu.enqueue_dma source(%arg7 : memref<16x2048xf32, #tpu.memory_space<vmem>>) target(%dma_start3A_47 : memref<16x2048xf32, #tpu.memory_space<hbm>>) target_semaphore(%arg13 : memref<!tpu.dma_semaphore, #tpu.memory_space<semaphore_mem>>)
    %add3A_48 = arith.constant 0 : i32
    %add3A_49 = arith.addi %mul3A_2, %add3A_48 : i32
    %dma_wait3A_50 = arith.constant 0 : i32
    %dma_wait3A_51 = tpu.memref_slice %arg4[%add3A_49, %dma_wait3A_50] : memref<16384x2048xf32, #tpu.memory_space<hbm>> -> memref<16x2048xf32, #tpu.memory_space<hbm>>
    %dma_wait3A_52 = arith.constant 0 : i32
    %dma_wait3A_53 = tpu.memref_slice %arg4[%add3A_49, %dma_wait3A_52] : memref<16384x2048xf32, #tpu.memory_space<hbm>> -> memref<16x2048xf32, #tpu.memory_space<hbm>>
    tpu.wait_dma2 semaphore(%arg12 : memref<!tpu.dma_semaphore, #tpu.memory_space<semaphore_mem>>) src(%arg6 : memref<16x2048xf32, #tpu.memory_space<vmem>>) dst(%dma_wait3A_53 : memref<16x2048xf32, #tpu.memory_space<hbm>>)
    %dma_start3A_54 = arith.constant 3 : i32
    %dma_start3A_55 = arith.constant 0 : i32
    %dma_start3A_56 = tpu.memref_slice %arg5[%dma_start3A_54, %dma_start3A_55] : memref<32x16xi32, #tpu.memory_space<vmem>> -> memref<1x16xi32, #tpu.memory_space<vmem>>
    %dma_start3A_57 = tpu.memref_squeeze %dma_start3A_56 : memref<1x16xi32, #tpu.memory_space<vmem>> -> memref<16xi32, #tpu.memory_space<vmem>>
    %dma_start3A_58 = arith.constant 0 : i32
    %dma_start3A_59 = arith.constant 0 : i32
    %dma_start3A_60 = tpu.memref_slice %arg3[%dma_start3A_58, %dma_start3A_59] : memref<32000x2048xf32, #tpu.memory_space<hbm>> -> memref<32000x2048xf32, #tpu.memory_space<hbm>>
    tpu.enqueue_indirect_dma source(%dma_start3A_60 : memref<32000x2048xf32, #tpu.memory_space<hbm>>) target(%arg6 : memref<16x2048xf32, #tpu.memory_space<vmem>>) offsets(%dma_start3A_57 : memref<16xi32, #tpu.memory_space<vmem>>) semaphore(%arg9 : memref<!tpu.dma_semaphore, #tpu.memory_space<semaphore_mem>>)
    %dma_wait3A_61 = arith.constant 2 : i32
    %dma_wait3A_62 = arith.constant 0 : i32
    %dma_wait3A_63 = tpu.memref_slice %arg5[%dma_wait3A_61, %dma_wait3A_62] : memref<32x16xi32, #tpu.memory_space<vmem>> -> memref<1x16xi32, #tpu.memory_space<vmem>>
    %dma_wait3A_64 = tpu.memref_squeeze %dma_wait3A_63 : memref<1x16xi32, #tpu.memory_space<vmem>> -> memref<16xi32, #tpu.memory_space<vmem>>
    %dma_wait3A_65 = arith.constant 0 : i32
    %dma_wait3A_66 = arith.constant 0 : i32
    %dma_wait3A_67 = tpu.memref_slice %arg3[%dma_wait3A_65, %dma_wait3A_66] : memref<32000x2048xf32, #tpu.memory_space<hbm>> -> memref<32000x2048xf32, #tpu.memory_space<hbm>>
    tpu.wait_indirect_dma semaphore(%arg11 : memref<!tpu.dma_semaphore, #tpu.memory_space<semaphore_mem>>) src(%dma_wait3A_67 : memref<32000x2048xf32, #tpu.memory_space<hbm>>) dst(%arg8 : memref<16x2048xf32, #tpu.memory_space<vmem>>)
    %add3A_68 = arith.constant 32 : i32
    %add3A_69 = arith.addi %mul3A_2, %add3A_68 : i32
    %dma_start3A_70 = arith.constant 0 : i32
    %dma_start3A_71 = tpu.memref_slice %arg4[%add3A_69, %dma_start3A_70] : memref<16384x2048xf32, #tpu.memory_space<hbm>> -> memref<16x2048xf32, #tpu.memory_space<hbm>>
    %dma_start3A_72 = arith.constant 0 : i32
    %dma_start3A_73 = tpu.memref_slice %arg4[%add3A_69, %dma_start3A_72] : memref<16384x2048xf32, #tpu.memory_space<hbm>> -> memref<16x2048xf32, #tpu.memory_space<hbm>>
    tpu.enqueue_dma source(%arg8 : memref<16x2048xf32, #tpu.memory_space<vmem>>) target(%dma_start3A_73 : memref<16x2048xf32, #tpu.memory_space<hbm>>) target_semaphore(%arg14 : memref<!tpu.dma_semaphore, #tpu.memory_space<semaphore_mem>>)
    %add3A_74 = arith.constant 16 : i32
    %add3A_75 = arith.addi %mul3A_2, %add3A_74 : i32
    %dma_wait3A_76 = arith.constant 0 : i32
    %dma_wait3A_77 = tpu.memref_slice %arg4[%add3A_75, %dma_wait3A_76] : memref<16384x2048xf32, #tpu.memory_space<hbm>> -> memref<16x2048xf32, #tpu.memory_space<hbm>>
    %dma_wait3A_78 = arith.constant 0 : i32
    %dma_wait3A_79 = tpu.memref_slice %arg4[%add3A_75, %dma_wait3A_78] : memref<16384x2048xf32, #tpu.memory_space<hbm>> -> memref<16x2048xf32, #tpu.memory_space<hbm>>
    tpu.wait_dma2 semaphore(%arg13 : memref<!tpu.dma_semaphore, #tpu.memory_space<semaphore_mem>>) src(%arg7 : memref<16x2048xf32, #tpu.memory_space<vmem>>) dst(%dma_wait3A_79 : memref<16x2048xf32, #tpu.memory_space<hbm>>)
    %dma_start3A_80 = arith.constant 4 : i32
    %dma_start3A_81 = arith.constant 0 : i32
    %dma_start3A_82 = tpu.memref_slice %arg5[%dma_start3A_80, %dma_start3A_81] : memref<32x16xi32, #tpu.memory_space<vmem>> -> memref<1x16xi32, #tpu.memory_space<vmem>>
    %dma_start3A_83 = tpu.memref_squeeze %dma_start3A_82 : memref<1x16xi32, #tpu.memory_space<vmem>> -> memref<16xi32, #tpu.memory_space<vmem>>
    %dma_start3A_84 = arith.constant 0 : i32
    %dma_start3A_85 = arith.constant 0 : i32
    %dma_start3A_86 = tpu.memref_slice %arg3[%dma_start3A_84, %dma_start3A_85] : memref<32000x2048xf32, #tpu.memory_space<hbm>> -> memref<32000x2048xf32, #tpu.memory_space<hbm>>
    tpu.enqueue_indirect_dma source(%dma_start3A_86 : memref<32000x2048xf32, #tpu.memory_space<hbm>>) target(%arg7 : memref<16x2048xf32, #tpu.memory_space<vmem>>) offsets(%dma_start3A_83 : memref<16xi32, #tpu.memory_space<vmem>>) semaphore(%arg10 : memref<!tpu.dma_semaphore, #tpu.memory_space<semaphore_mem>>)
    %scan3A = arith.constant 0 : i32
    %scan3A_87 = arith.constant 1 : i32
    %scan3A_88 = arith.constant 9 : i32
    %scan3A_89 = arith.addi %scan3A_87, %scan3A_88 : i32
    %scan3A_90 = arith.constant 1 : i32
    scf.for %scan3A_136 = %scan3A_87 to %scan3A_89 step %scan3A_90  : i32 {
      %mul3A_137 = arith.constant 3 : i32
      %mul3A_138 = arith.muli %scan3A_136, %mul3A_137 : i32
      %add3A_139 = arith.constant 0 : i32
      %add3A_140 = arith.addi %mul3A_138, %add3A_139 : i32
      %dma_wait3A_141 = arith.constant 0 : i32
      %dma_wait3A_142 = tpu.memref_slice %arg5[%add3A_140, %dma_wait3A_141] : memref<32x16xi32, #tpu.memory_space<vmem>> -> memref<1x16xi32, #tpu.memory_space<vmem>>
      %dma_wait3A_143 = tpu.memref_squeeze %dma_wait3A_142 : memref<1x16xi32, #tpu.memory_space<vmem>> -> memref<16xi32, #tpu.memory_space<vmem>>
      %dma_wait3A_144 = arith.constant 0 : i32
      %dma_wait3A_145 = arith.constant 0 : i32
      %dma_wait3A_146 = tpu.memref_slice %arg3[%dma_wait3A_144, %dma_wait3A_145] : memref<32000x2048xf32, #tpu.memory_space<hbm>> -> memref<32000x2048xf32, #tpu.memory_space<hbm>>
      tpu.wait_indirect_dma semaphore(%arg9 : memref<!tpu.dma_semaphore, #tpu.memory_space<semaphore_mem>>) src(%dma_wait3A_146 : memref<32000x2048xf32, #tpu.memory_space<hbm>>) dst(%arg6 : memref<16x2048xf32, #tpu.memory_space<vmem>>)
      %mul3A_147 = arith.constant 16 : i32
      %mul3A_148 = arith.muli %add3A_140, %mul3A_147 : i32
      %add3A_149 = arith.addi %mul3A_2, %mul3A_148 : i32
      %dma_start3A_150 = arith.constant 0 : i32
      %dma_start3A_151 = tpu.memref_slice %arg4[%add3A_149, %dma_start3A_150] : memref<16384x2048xf32, #tpu.memory_space<hbm>> -> memref<16x2048xf32, #tpu.memory_space<hbm>>
      %dma_start3A_152 = arith.constant 0 : i32
      %dma_start3A_153 = tpu.memref_slice %arg4[%add3A_149, %dma_start3A_152] : memref<16384x2048xf32, #tpu.memory_space<hbm>> -> memref<16x2048xf32, #tpu.memory_space<hbm>>
      tpu.enqueue_dma source(%arg6 : memref<16x2048xf32, #tpu.memory_space<vmem>>) target(%dma_start3A_153 : memref<16x2048xf32, #tpu.memory_space<hbm>>) target_semaphore(%arg12 : memref<!tpu.dma_semaphore, #tpu.memory_space<semaphore_mem>>)
      %sub3A = arith.constant 1 : i32
      %sub3A_154 = arith.subi %add3A_140, %sub3A : i32
      %mul3A_155 = arith.constant 16 : i32
      %mul3A_156 = arith.muli %sub3A_154, %mul3A_155 : i32
      %add3A_157 = arith.addi %mul3A_2, %mul3A_156 : i32
      %dma_wait3A_158 = arith.constant 0 : i32
      %dma_wait3A_159 = tpu.memref_slice %arg4[%add3A_157, %dma_wait3A_158] : memref<16384x2048xf32, #tpu.memory_space<hbm>> -> memref<16x2048xf32, #tpu.memory_space<hbm>>
      %dma_wait3A_160 = arith.constant 0 : i32
      %dma_wait3A_161 = tpu.memref_slice %arg4[%add3A_157, %dma_wait3A_160] : memref<16384x2048xf32, #tpu.memory_space<hbm>> -> memref<16x2048xf32, #tpu.memory_space<hbm>>
      tpu.wait_dma2 semaphore(%arg14 : memref<!tpu.dma_semaphore, #tpu.memory_space<semaphore_mem>>) src(%arg8 : memref<16x2048xf32, #tpu.memory_space<vmem>>) dst(%dma_wait3A_161 : memref<16x2048xf32, #tpu.memory_space<hbm>>)
      %add3A_162 = arith.constant 2 : i32
      %add3A_163 = arith.addi %add3A_140, %add3A_162 : i32
      %dma_start3A_164 = arith.constant 0 : i32
      %dma_start3A_165 = tpu.memref_slice %arg5[%add3A_163, %dma_start3A_164] : memref<32x16xi32, #tpu.memory_space<vmem>> -> memref<1x16xi32, #tpu.memory_space<vmem>>
      %dma_start3A_166 = tpu.memref_squeeze %dma_start3A_165 : memref<1x16xi32, #tpu.memory_space<vmem>> -> memref<16xi32, #tpu.memory_space<vmem>>
      %dma_start3A_167 = arith.constant 0 : i32
      %dma_start3A_168 = arith.constant 0 : i32
      %dma_start3A_169 = tpu.memref_slice %arg3[%dma_start3A_167, %dma_start3A_168] : memref<32000x2048xf32, #tpu.memory_space<hbm>> -> memref<32000x2048xf32, #tpu.memory_space<hbm>>
      tpu.enqueue_indirect_dma source(%dma_start3A_169 : memref<32000x2048xf32, #tpu.memory_space<hbm>>) target(%arg8 : memref<16x2048xf32, #tpu.memory_space<vmem>>) offsets(%dma_start3A_166 : memref<16xi32, #tpu.memory_space<vmem>>) semaphore(%arg11 : memref<!tpu.dma_semaphore, #tpu.memory_space<semaphore_mem>>)
      %mul3A_170 = arith.constant 3 : i32
      %mul3A_171 = arith.muli %scan3A_136, %mul3A_170 : i32
      %add3A_172 = arith.constant 1 : i32
      %add3A_173 = arith.addi %mul3A_171, %add3A_172 : i32
      %dma_wait3A_174 = arith.constant 0 : i32
      %dma_wait3A_175 = tpu.memref_slice %arg5[%add3A_173, %dma_wait3A_174] : memref<32x16xi32, #tpu.memory_space<vmem>> -> memref<1x16xi32, #tpu.memory_space<vmem>>
      %dma_wait3A_176 = tpu.memref_squeeze %dma_wait3A_175 : memref<1x16xi32, #tpu.memory_space<vmem>> -> memref<16xi32, #tpu.memory_space<vmem>>
      %dma_wait3A_177 = arith.constant 0 : i32
      %dma_wait3A_178 = arith.constant 0 : i32
      %dma_wait3A_179 = tpu.memref_slice %arg3[%dma_wait3A_177, %dma_wait3A_178] : memref<32000x2048xf32, #tpu.memory_space<hbm>> -> memref<32000x2048xf32, #tpu.memory_space<hbm>>
      tpu.wait_indirect_dma semaphore(%arg10 : memref<!tpu.dma_semaphore, #tpu.memory_space<semaphore_mem>>) src(%dma_wait3A_179 : memref<32000x2048xf32, #tpu.memory_space<hbm>>) dst(%arg7 : memref<16x2048xf32, #tpu.memory_space<vmem>>)
      %mul3A_180 = arith.constant 16 : i32
      %mul3A_181 = arith.muli %add3A_173, %mul3A_180 : i32
      %add3A_182 = arith.addi %mul3A_2, %mul3A_181 : i32
      %dma_start3A_183 = arith.constant 0 : i32
      %dma_start3A_184 = tpu.memref_slice %arg4[%add3A_182, %dma_start3A_183] : memref<16384x2048xf32, #tpu.memory_space<hbm>> -> memref<16x2048xf32, #tpu.memory_space<hbm>>
      %dma_start3A_185 = arith.constant 0 : i32
      %dma_start3A_186 = tpu.memref_slice %arg4[%add3A_182, %dma_start3A_185] : memref<16384x2048xf32, #tpu.memory_space<hbm>> -> memref<16x2048xf32, #tpu.memory_space<hbm>>
      tpu.enqueue_dma source(%arg7 : memref<16x2048xf32, #tpu.memory_space<vmem>>) target(%dma_start3A_186 : memref<16x2048xf32, #tpu.memory_space<hbm>>) target_semaphore(%arg13 : memref<!tpu.dma_semaphore, #tpu.memory_space<semaphore_mem>>)
      %sub3A_187 = arith.constant 1 : i32
      %sub3A_188 = arith.subi %add3A_173, %sub3A_187 : i32
      %mul3A_189 = arith.constant 16 : i32
      %mul3A_190 = arith.muli %sub3A_188, %mul3A_189 : i32
      %add3A_191 = arith.addi %mul3A_2, %mul3A_190 : i32
      %dma_wait3A_192 = arith.constant 0 : i32
      %dma_wait3A_193 = tpu.memref_slice %arg4[%add3A_191, %dma_wait3A_192] : memref<16384x2048xf32, #tpu.memory_space<hbm>> -> memref<16x2048xf32, #tpu.memory_space<hbm>>
      %dma_wait3A_194 = arith.constant 0 : i32
      %dma_wait3A_195 = tpu.memref_slice %arg4[%add3A_191, %dma_wait3A_194] : memref<16384x2048xf32, #tpu.memory_space<hbm>> -> memref<16x2048xf32, #tpu.memory_space<hbm>>
      tpu.wait_dma2 semaphore(%arg12 : memref<!tpu.dma_semaphore, #tpu.memory_space<semaphore_mem>>) src(%arg6 : memref<16x2048xf32, #tpu.memory_space<vmem>>) dst(%dma_wait3A_195 : memref<16x2048xf32, #tpu.memory_space<hbm>>)
      %add3A_196 = arith.constant 2 : i32
      %add3A_197 = arith.addi %add3A_173, %add3A_196 : i32
      %dma_start3A_198 = arith.constant 0 : i32
      %dma_start3A_199 = tpu.memref_slice %arg5[%add3A_197, %dma_start3A_198] : memref<32x16xi32, #tpu.memory_space<vmem>> -> memref<1x16xi32, #tpu.memory_space<vmem>>
      %dma_start3A_200 = tpu.memref_squeeze %dma_start3A_199 : memref<1x16xi32, #tpu.memory_space<vmem>> -> memref<16xi32, #tpu.memory_space<vmem>>
      %dma_start3A_201 = arith.constant 0 : i32
      %dma_start3A_202 = arith.constant 0 : i32
      %dma_start3A_203 = tpu.memref_slice %arg3[%dma_start3A_201, %dma_start3A_202] : memref<32000x2048xf32, #tpu.memory_space<hbm>> -> memref<32000x2048xf32, #tpu.memory_space<hbm>>
      tpu.enqueue_indirect_dma source(%dma_start3A_203 : memref<32000x2048xf32, #tpu.memory_space<hbm>>) target(%arg6 : memref<16x2048xf32, #tpu.memory_space<vmem>>) offsets(%dma_start3A_200 : memref<16xi32, #tpu.memory_space<vmem>>) semaphore(%arg9 : memref<!tpu.dma_semaphore, #tpu.memory_space<semaphore_mem>>)
      %mul3A_204 = arith.constant 3 : i32
      %mul3A_205 = arith.muli %scan3A_136, %mul3A_204 : i32
      %add3A_206 = arith.constant 2 : i32
      %add3A_207 = arith.addi %mul3A_205, %add3A_206 : i32
      %dma_wait3A_208 = arith.constant 0 : i32
      %dma_wait3A_209 = tpu.memref_slice %arg5[%add3A_207, %dma_wait3A_208] : memref<32x16xi32, #tpu.memory_space<vmem>> -> memref<1x16xi32, #tpu.memory_space<vmem>>
      %dma_wait3A_210 = tpu.memref_squeeze %dma_wait3A_209 : memref<1x16xi32, #tpu.memory_space<vmem>> -> memref<16xi32, #tpu.memory_space<vmem>>
      %dma_wait3A_211 = arith.constant 0 : i32
      %dma_wait3A_212 = arith.constant 0 : i32
      %dma_wait3A_213 = tpu.memref_slice %arg3[%dma_wait3A_211, %dma_wait3A_212] : memref<32000x2048xf32, #tpu.memory_space<hbm>> -> memref<32000x2048xf32, #tpu.memory_space<hbm>>
      tpu.wait_indirect_dma semaphore(%arg11 : memref<!tpu.dma_semaphore, #tpu.memory_space<semaphore_mem>>) src(%dma_wait3A_213 : memref<32000x2048xf32, #tpu.memory_space<hbm>>) dst(%arg8 : memref<16x2048xf32, #tpu.memory_space<vmem>>)
      %mul3A_214 = arith.constant 16 : i32
      %mul3A_215 = arith.muli %add3A_207, %mul3A_214 : i32
      %add3A_216 = arith.addi %mul3A_2, %mul3A_215 : i32
      %dma_start3A_217 = arith.constant 0 : i32
      %dma_start3A_218 = tpu.memref_slice %arg4[%add3A_216, %dma_start3A_217] : memref<16384x2048xf32, #tpu.memory_space<hbm>> -> memref<16x2048xf32, #tpu.memory_space<hbm>>
      %dma_start3A_219 = arith.constant 0 : i32
      %dma_start3A_220 = tpu.memref_slice %arg4[%add3A_216, %dma_start3A_219] : memref<16384x2048xf32, #tpu.memory_space<hbm>> -> memref<16x2048xf32, #tpu.memory_space<hbm>>
      tpu.enqueue_dma source(%arg8 : memref<16x2048xf32, #tpu.memory_space<vmem>>) target(%dma_start3A_220 : memref<16x2048xf32, #tpu.memory_space<hbm>>) target_semaphore(%arg14 : memref<!tpu.dma_semaphore, #tpu.memory_space<semaphore_mem>>)
      %sub3A_221 = arith.constant 1 : i32
      %sub3A_222 = arith.subi %add3A_207, %sub3A_221 : i32
      %mul3A_223 = arith.constant 16 : i32
      %mul3A_224 = arith.muli %sub3A_222, %mul3A_223 : i32
      %add3A_225 = arith.addi %mul3A_2, %mul3A_224 : i32
      %dma_wait3A_226 = arith.constant 0 : i32
      %dma_wait3A_227 = tpu.memref_slice %arg4[%add3A_225, %dma_wait3A_226] : memref<16384x2048xf32, #tpu.memory_space<hbm>> -> memref<16x2048xf32, #tpu.memory_space<hbm>>
      %dma_wait3A_228 = arith.constant 0 : i32
      %dma_wait3A_229 = tpu.memref_slice %arg4[%add3A_225, %dma_wait3A_228] : memref<16384x2048xf32, #tpu.memory_space<hbm>> -> memref<16x2048xf32, #tpu.memory_space<hbm>>
      tpu.wait_dma2 semaphore(%arg13 : memref<!tpu.dma_semaphore, #tpu.memory_space<semaphore_mem>>) src(%arg7 : memref<16x2048xf32, #tpu.memory_space<vmem>>) dst(%dma_wait3A_229 : memref<16x2048xf32, #tpu.memory_space<hbm>>)
      %add3A_230 = arith.constant 2 : i32
      %add3A_231 = arith.addi %add3A_207, %add3A_230 : i32
      %dma_start3A_232 = arith.constant 0 : i32
      %dma_start3A_233 = tpu.memref_slice %arg5[%add3A_231, %dma_start3A_232] : memref<32x16xi32, #tpu.memory_space<vmem>> -> memref<1x16xi32, #tpu.memory_space<vmem>>
      %dma_start3A_234 = tpu.memref_squeeze %dma_start3A_233 : memref<1x16xi32, #tpu.memory_space<vmem>> -> memref<16xi32, #tpu.memory_space<vmem>>
      %dma_start3A_235 = arith.constant 0 : i32
      %dma_start3A_236 = arith.constant 0 : i32
      %dma_start3A_237 = tpu.memref_slice %arg3[%dma_start3A_235, %dma_start3A_236] : memref<32000x2048xf32, #tpu.memory_space<hbm>> -> memref<32000x2048xf32, #tpu.memory_space<hbm>>
      tpu.enqueue_indirect_dma source(%dma_start3A_237 : memref<32000x2048xf32, #tpu.memory_space<hbm>>) target(%arg7 : memref<16x2048xf32, #tpu.memory_space<vmem>>) offsets(%dma_start3A_234 : memref<16xi32, #tpu.memory_space<vmem>>) semaphore(%arg10 : memref<!tpu.dma_semaphore, #tpu.memory_space<semaphore_mem>>)
    }
    %scan3A_91 = arith.constant 9 : i32
    %dma_wait3A_92 = arith.constant 30 : i32
    %dma_wait3A_93 = arith.constant 0 : i32
    %dma_wait3A_94 = tpu.memref_slice %arg5[%dma_wait3A_92, %dma_wait3A_93] : memref<32x16xi32, #tpu.memory_space<vmem>> -> memref<1x16xi32, #tpu.memory_space<vmem>>
    %dma_wait3A_95 = tpu.memref_squeeze %dma_wait3A_94 : memref<1x16xi32, #tpu.memory_space<vmem>> -> memref<16xi32, #tpu.memory_space<vmem>>
    %dma_wait3A_96 = arith.constant 0 : i32
    %dma_wait3A_97 = arith.constant 0 : i32
    %dma_wait3A_98 = tpu.memref_slice %arg3[%dma_wait3A_96, %dma_wait3A_97] : memref<32000x2048xf32, #tpu.memory_space<hbm>> -> memref<32000x2048xf32, #tpu.memory_space<hbm>>
    tpu.wait_indirect_dma semaphore(%arg9 : memref<!tpu.dma_semaphore, #tpu.memory_space<semaphore_mem>>) src(%dma_wait3A_98 : memref<32000x2048xf32, #tpu.memory_space<hbm>>) dst(%arg6 : memref<16x2048xf32, #tpu.memory_space<vmem>>)
    %add3A_99 = arith.constant 480 : i32
    %add3A_100 = arith.addi %mul3A_2, %add3A_99 : i32
    %dma_start3A_101 = arith.constant 0 : i32
    %dma_start3A_102 = tpu.memref_slice %arg4[%add3A_100, %dma_start3A_101] : memref<16384x2048xf32, #tpu.memory_space<hbm>> -> memref<16x2048xf32, #tpu.memory_space<hbm>>
    %dma_start3A_103 = arith.constant 0 : i32
    %dma_start3A_104 = tpu.memref_slice %arg4[%add3A_100, %dma_start3A_103] : memref<16384x2048xf32, #tpu.memory_space<hbm>> -> memref<16x2048xf32, #tpu.memory_space<hbm>>
    tpu.enqueue_dma source(%arg6 : memref<16x2048xf32, #tpu.memory_space<vmem>>) target(%dma_start3A_104 : memref<16x2048xf32, #tpu.memory_space<hbm>>) target_semaphore(%arg12 : memref<!tpu.dma_semaphore, #tpu.memory_space<semaphore_mem>>)
    %add3A_105 = arith.constant 464 : i32
    %add3A_106 = arith.addi %mul3A_2, %add3A_105 : i32
    %dma_wait3A_107 = arith.constant 0 : i32
    %dma_wait3A_108 = tpu.memref_slice %arg4[%add3A_106, %dma_wait3A_107] : memref<16384x2048xf32, #tpu.memory_space<hbm>> -> memref<16x2048xf32, #tpu.memory_space<hbm>>
    %dma_wait3A_109 = arith.constant 0 : i32
    %dma_wait3A_110 = tpu.memref_slice %arg4[%add3A_106, %dma_wait3A_109] : memref<16384x2048xf32, #tpu.memory_space<hbm>> -> memref<16x2048xf32, #tpu.memory_space<hbm>>
    tpu.wait_dma2 semaphore(%arg14 : memref<!tpu.dma_semaphore, #tpu.memory_space<semaphore_mem>>) src(%arg8 : memref<16x2048xf32, #tpu.memory_space<vmem>>) dst(%dma_wait3A_110 : memref<16x2048xf32, #tpu.memory_space<hbm>>)
    %dma_wait3A_111 = arith.constant 31 : i32
    %dma_wait3A_112 = arith.constant 0 : i32
    %dma_wait3A_113 = tpu.memref_slice %arg5[%dma_wait3A_111, %dma_wait3A_112] : memref<32x16xi32, #tpu.memory_space<vmem>> -> memref<1x16xi32, #tpu.memory_space<vmem>>
    %dma_wait3A_114 = tpu.memref_squeeze %dma_wait3A_113 : memref<1x16xi32, #tpu.memory_space<vmem>> -> memref<16xi32, #tpu.memory_space<vmem>>
    %dma_wait3A_115 = arith.constant 0 : i32
    %dma_wait3A_116 = arith.constant 0 : i32
    %dma_wait3A_117 = tpu.memref_slice %arg3[%dma_wait3A_115, %dma_wait3A_116] : memref<32000x2048xf32, #tpu.memory_space<hbm>> -> memref<32000x2048xf32, #tpu.memory_space<hbm>>
    tpu.wait_indirect_dma semaphore(%arg10 : memref<!tpu.dma_semaphore, #tpu.memory_space<semaphore_mem>>) src(%dma_wait3A_117 : memref<32000x2048xf32, #tpu.memory_space<hbm>>) dst(%arg7 : memref<16x2048xf32, #tpu.memory_space<vmem>>)
    %add3A_118 = arith.constant 496 : i32
    %add3A_119 = arith.addi %mul3A_2, %add3A_118 : i32
    %dma_start3A_120 = arith.constant 0 : i32
    %dma_start3A_121 = tpu.memref_slice %arg4[%add3A_119, %dma_start3A_120] : memref<16384x2048xf32, #tpu.memory_space<hbm>> -> memref<16x2048xf32, #tpu.memory_space<hbm>>
    %dma_start3A_122 = arith.constant 0 : i32
    %dma_start3A_123 = tpu.memref_slice %arg4[%add3A_119, %dma_start3A_122] : memref<16384x2048xf32, #tpu.memory_space<hbm>> -> memref<16x2048xf32, #tpu.memory_space<hbm>>
    tpu.enqueue_dma source(%arg7 : memref<16x2048xf32, #tpu.memory_space<vmem>>) target(%dma_start3A_123 : memref<16x2048xf32, #tpu.memory_space<hbm>>) target_semaphore(%arg13 : memref<!tpu.dma_semaphore, #tpu.memory_space<semaphore_mem>>)
    %add3A_124 = arith.constant 480 : i32
    %add3A_125 = arith.addi %mul3A_2, %add3A_124 : i32
    %dma_wait3A_126 = arith.constant 0 : i32
    %dma_wait3A_127 = tpu.memref_slice %arg4[%add3A_125, %dma_wait3A_126] : memref<16384x2048xf32, #tpu.memory_space<hbm>> -> memref<16x2048xf32, #tpu.memory_space<hbm>>
    %dma_wait3A_128 = arith.constant 0 : i32
    %dma_wait3A_129 = tpu.memref_slice %arg4[%add3A_125, %dma_wait3A_128] : memref<16384x2048xf32, #tpu.memory_space<hbm>> -> memref<16x2048xf32, #tpu.memory_space<hbm>>
    tpu.wait_dma2 semaphore(%arg12 : memref<!tpu.dma_semaphore, #tpu.memory_space<semaphore_mem>>) src(%arg6 : memref<16x2048xf32, #tpu.memory_space<vmem>>) dst(%dma_wait3A_129 : memref<16x2048xf32, #tpu.memory_space<hbm>>)
    %add3A_130 = arith.constant 496 : i32
    %add3A_131 = arith.addi %mul3A_2, %add3A_130 : i32
    %dma_wait3A_132 = arith.constant 0 : i32
    %dma_wait3A_133 = tpu.memref_slice %arg4[%add3A_131, %dma_wait3A_132] : memref<16384x2048xf32, #tpu.memory_space<hbm>> -> memref<16x2048xf32, #tpu.memory_space<hbm>>
    %dma_wait3A_134 = arith.constant 0 : i32
    %dma_wait3A_135 = tpu.memref_slice %arg4[%add3A_131, %dma_wait3A_134] : memref<16384x2048xf32, #tpu.memory_space<hbm>> -> memref<16x2048xf32, #tpu.memory_space<hbm>>
    tpu.wait_dma2 semaphore(%arg13 : memref<!tpu.dma_semaphore, #tpu.memory_space<semaphore_mem>>) src(%arg7 : memref<16x2048xf32, #tpu.memory_space<vmem>>) dst(%dma_wait3A_135 : memref<16x2048xf32, #tpu.memory_space<hbm>>)
    return
  }
}

</mosaic_0001>

<sc_bundles>
// kernel: _embed.3.cloned.1.call-start
scs
__scs_entry_jumppad:
0x0: {  	(pc) =	sbr.rel $0x88, $3  }
0x1: {  	(tag) =	ssettag $0x0;
	lr =	simm.s32 $0x1  }
0x2: {  	[smem:$0x3F9F] =	sst lr;
	_ =	strace $0xD0000000  }
0x3: {  	_ = 	snop  }
0x4: {  	_ = 	snop  }
0x5: {  	_ = 	snop  }
0x6: {  	_ = 	snop  }
0x7: {  	_ = 	snop  }
__scs_overlays_trampoline_lowered:
0x8: {  	[smem:$0x3FAE] =	sst s0  }
0x9: {  	[smem:$0x3FAF] =	sst s1  }
0xa: {  	[smem:$0x3FB0] =	sst s2  }
0xb: {  	[smem:$0x3FB1] =	sst s3  }
0xc: {  	[smem:$0x3FB2] =	sst s4  }
0xd: {  	[smem:$0x3FB3] =	sst s5  }
0xe: {  	[smem:$0x3FB4] =	sst s6  }
0xf: {  	[smem:$0x3FB5] =	sst s7  }
0x10: {  	[smem:$0x3FB6] =	sst s8  }
0x11: {  	[smem:$0x3FB7] =	sst s9;
	s0 =	simm.s32 @!p0 $0x0  }
0x12: {  	s1 =	sld [smem:$0x3F9D];
	s0 =	simm.s32 @p0 $0x1  }
0x13: {  	[smem:$0x3FB8] =	sst s0;
	s0 =	simm.s32 @!p1 $0x0  }
0x14: {  	s2 =	sld [smem:$0x3F9C];
	s0 =	simm.s32 @p1 $0x1  }
0x15: {  	[smem:$0x3FB9] =	sst s0;
	s0 =	simm.s32 @!p2 $0x0  }
0x16: {  	s3 =	sld [smem:$0x3FDB];
	s0 =	simm.s32 @p2 $0x1  }
0x17: {  	s4 =	simm.s32 $0x1BF5;
	[smem:$0x3FBB] =	sst s0  }
0x18: {  	s0 =	sld [smem:$0x3F9E];
	_ =	swait.ge [sflag:s4], $0x0  }
0x19: {  	s7 =	sld [smem:$0x3F9F]  }
0x1a: {  	s8 =	sadd.s32 $0xFFFFE003, lr  }
0x1b: {  	s9 =	sadd.s32 $0xFFFFFEF7, lr;
	s5 =	simm.s32 $0xFFFFFFFF;
	p2 =	slt.u32 s8, $0xFFFFF086  }
0x1c: {  	p1 =	slt.u32 s9, $0xF7A;
	s5 =	simm.s32 @!p2 $0x0  }
0x1d: {  	s5 =	simm.s32 @p1 $0x1;
	p0 =	seq.s32 s7, s2  }
0x1e: {  	s7 =	smul.u32 @!p0 $0xF7A, s2;
	p2 =	seq.s32 @!p0 s5, $0x0  }
0x1f: {  	s9 =	smul.u32 $0xF7A, s1;
	s8 =	simm.s32 @!p0 $0x1BF5;
	p2 =	por !p2, p0  }
0x20: {  	[sflag:s8] =	ssyncset.s32 @!p0 $0xFFFFF086;
	s6 =	sadd.s32 @!p0 s3, s7;
	s7 =	simm.s32 @!p0 $0x108  }
0x21: {  	s3 =	sadd.s32 s3, s9;
	s6 =	sadd.s32 @!p0 $0x88, s6;
	s7 =	simm.s32 @p2 $0x1082  }
0x22: {  	[simem:s7], [sflag:s8] =	dma.local @!p0 [hbm:s6], $0xF7A  }
0x23: {  	s9 =	sor.u32 $0xD0000000, s2;
	s6 =	simm.s32 $0x108;
	_ =	swait.ge @!p0 [sflag:s8], $0x0  }
0x24: {  	s3 =	sadd.s32 $0x88, s3;
	s6 =	simm.s32 @!p1 $0x1082;
	[sflag:s4] =	ssyncset.s32 $0xFFFFF086  }
0x25: {  	[simem:s6], [sflag:s4] =	dma.local [hbm:s3], $0xF7A  }
0x26: {  	[smem:$0x3F9F] =	sst s1;
	(tag) =	ssettag s2;
	_ =	strace s9  }
0x27: {  	s1 =	sld [smem:$0x3FAF]  }
0x28: {  	s2 =	sld [smem:$0x3FB0]  }
0x29: {  	s4 =	sld [smem:$0x3FB2]  }
0x2a: {  	p0 =	seq.s32 s5, $0x0;
	s5 =	sld [smem:$0x3FB3]  }
0x2b: {  	s6 =	sld [smem:$0x3FB4]  }
0x2c: {  	s7 =	sld [smem:$0x3FB5]  }
0x2d: {  	s3 =	simm.s32 $0x108;
	s8 =	sld [smem:$0x3FB6]  }
0x2e: {  	s3 =	simm.s32 @!p0 $0x1082;
	s9 =	sld [smem:$0x3FB7]  }
0x2f: {  	lr =	sadd.s32 s0, s3;
	s0 =	sld [smem:$0x3FAE]  }
0x30: {  	s3 =	sld [smem:$0x3FB1]  }
0x31: {  	[smem:$0x3FBA] =	sst s10  }
0x32: {  	s10 =	sld [smem:$0x3FB8];
	_ =	sdelay $0x3  }
0x33: {  	p0 =	seq.s32 s10, $0x1;
	s10 =	sld [smem:$0x3FBA];
	_ =	sdelay $0x3  }
0x34: {  	[smem:$0x3FBA] =	sst s10  }
0x35: {  	s10 =	sld [smem:$0x3FB9];
	_ =	sdelay $0x3  }
0x36: {  	p1 =	seq.s32 s10, $0x1;
	s10 =	sld [smem:$0x3FBA];
	_ =	sdelay $0x3  }
0x37: {  	[smem:$0x3FBA] =	sst s10  }
0x38: {  	s10 =	sld [smem:$0x3FBB]  }
0x39: {  	_ = 	snop;
	(pc) =	sbr.ind lr, $3  }
0x3a: {  	_ = 	snop  }
0x3b: {  	_ = 	snop  }
0x3c: {  	p2 =	seq.s32 s10, $0x1;
	s10 =	sld [smem:$0x3FBA]  }
0x3d: {  	_ =	shalt  }
0x3e: {  	_ =	shalt  }
0x3f: {  	_ =	shalt  }
0x40: {  	_ =	shalt  }
0x41: {  	_ =	shalt  }
0x42: {  	_ =	shalt  }
0x43: {  	_ =	shalt  }
0x44: {  	_ =	shalt  }
0x45: {  	_ =	shalt  }
0x46: {  	_ =	shalt  }
0x47: {  	_ =	shalt  }
0x48: {  	_ =	shalt  }
0x49: {  	_ =	shalt  }
0x4a: {  	_ =	shalt  }
0x4b: {  	_ =	shalt  }
0x4c: {  	_ =	shalt  }
0x4d: {  	_ =	shalt  }
0x4e: {  	_ =	shalt  }
0x4f: {  	_ =	shalt  }
0x50: {  	_ =	shalt  }
0x51: {  	_ =	shalt  }
0x52: {  	_ =	shalt  }
0x53: {  	_ =	shalt  }
0x54: {  	_ =	shalt  }
0x55: {  	_ =	shalt  }
0x56: {  	_ =	shalt  }
0x57: {  	_ =	shalt  }
0x58: {  	_ =	shalt  }
0x59: {  	_ =	shalt  }
0x5a: {  	_ =	shalt  }
0x5b: {  	_ =	shalt  }
0x5c: {  	_ =	shalt  }
0x5d: {  	_ =	shalt  }
0x5e: {  	_ =	shalt  }
0x5f: {  	_ =	shalt  }
0x60: {  	_ =	shalt  }
0x61: {  	_ =	shalt  }
0x62: {  	_ =	shalt  }
0x63: {  	_ =	shalt  }
0x64: {  	_ =	shalt  }
0x65: {  	_ =	shalt  }
0x66: {  	_ =	shalt  }
0x67: {  	_ =	shalt  }
0x68: {  	_ =	shalt  }
0x69: {  	_ =	shalt  }
0x6a: {  	_ =	shalt  }
0x6b: {  	_ =	shalt  }
0x6c: {  	_ =	shalt  }
0x6d: {  	_ =	shalt  }
0x6e: {  	_ =	shalt  }
0x6f: {  	_ =	shalt  }
0x70: {  	_ =	shalt  }
0x71: {  	_ =	shalt  }
0x72: {  	_ =	shalt  }
0x73: {  	_ =	shalt  }
0x74: {  	_ =	shalt  }
0x75: {  	_ =	shalt  }
0x76: {  	_ =	shalt  }
0x77: {  	_ =	shalt  }
0x78: {  	_ =	shalt  }
0x79: {  	_ =	shalt  }
0x7a: {  	_ =	shalt  }
0x7b: {  	_ =	shalt  }
0x7c: {  	_ =	shalt  }
0x7d: {  	_ =	shalt  }
0x7e: {  	_ =	shalt  }
0x7f: {  	_ =	shalt  }
0x80: {  	_ =	shalt  }
0x81: {  	_ =	shalt  }
0x82: {  	_ =	shalt  }
0x83: {  	_ =	shalt  }
0x84: {  	_ =	shalt  }
0x85: {  	_ =	shalt  }
0x86: {  	_ =	shalt  }
0x87: {  	_ =	shalt  }
.Lfunc_end0:
.L_simem_size_0:
called_computation_lowered:
.L_overlay_start_0:
0x88: {  	s2 =	sld [smem:$0x3FD9]  }
0x89: {  	s3 =	sld [smem:$0x3FFE];
	_ =	sdelay $0x1  }
0x8a: {  	s1 =	srdreg.scid  }
0x8b: {  	s0 =	sand.u32 $0x1, s1  }
0x8c: {  	s17 =	sshll.u32 s0, $0xA;
	s2 =	sadd.s32 s3, s2  }
0x8d: {  	s2 =	sadd.s32 s2, s17  }
0x8e: {  	[smem:$0x3FC6] =	sst s2  }
0x8f: {  	_ = 	snop  }
0x90: {  	s2 =	sld [smem:$0x3FC8]  }
0x91: {  	s18 =	sld [smem:$0x3FD0];
	(tm) =	ssettm $0x1  }
0x92: {  	s4 =	sld [smem:$0x3FFB];
	_ =	sdelay $0x3  }
0x93: {  	_ =	strace s4  }
0x94: {  	s4 =	sld [smem:$0x3FFC];
	_ =	sdelay $0x3  }
0x95: {  	_ =	strace s4  }
0x96: {  	s4 =	sld [smem:$0x3FFD];
	_ =	sdelay $0x3  }
0x97: {  	_ =	strace s4  }
0x98: {  	_ =	strace $0x8FFFFFFF  }
0x99: {  	s19 =	sld [smem:$0x3FDB];
	_ =	sdelay $0x1  }
0x9a: {  	s5 =	simm.s32 $_scs_section_size  }
0x9b: {  	s6 =	simm.s32 $_size__tile_overlayer_lowered;
	s7 =	simm.s32 $_tile_overlayer_lowered  }
0x9c: {  	s22 =	simm.s32 $0x1BFF;
	s21 =	sshll.u32 s7, $0x1;
	s4 =	sadd.s32 s5, s19  }
0x9d: {  	s8 =	simm.s32 $0x0;
	s20 =	sshll.u32 s6, $0x1;
	s6 =	sadd.s32 s21, s4  }
0x9e: {  	[timem:s8], [sflag:s22] =	dma.local [hbm:s6], s20  }
0x9f: {  	_ =	swait.ge [sflag:s22], s20  }
0xa0: {  	s5 =	ssub.s32 $0x0, s20;
	[sflag:s22] =	ssyncset.done $0x0  }
0xa1: {  	[sflag:s22] =	ssyncadd.s32 s5;
	_ =	sdelay $0x1  }
0xa2: {  	s23 =	simm.s32 $0x1B8B  }
0xa3: {  	_ =	swait.ge [sflag:s23], $0x1  }
0xa4: {  	[sflag:s23] =	ssyncset.done $0x0  }
0xa5: {  	s25 =	simm.s32 $0x1B8E;
	s24 =	sld [smem:$0x3FFE];
	[sflag:s23] =	ssyncadd.s32 $0xFFFFFFFF  }
0xa6: {  	s26 =	simm.s32 $execute0_lowered;
	[smem:$0x3FD2] =	sst s25  }
0xa7: {  	s6 =	sshll.u32 s26, $0x1;
	_ =	strace $0x80000046;
	[dreg:$0x1] =	wrdreg $0xFFFFFFFF  }
0xa8: {  	s28 =	simm.s32 $_size_execute0_lowered;
	s4 =	sadd.s32 s4, s6;
	[dreg:$0x0] =	wrdreg $0x0  }
0xa9: {  	s6 =	sshll.u32 s28, $0x1;
	[dreg:$0x2] =	wrdreg s4  }
0xaa: {  	[dreg:$0x3] =	wrdreg s6  }
0xab: {  	[dreg:$0x4] =	wrdreg $0xC0  }
0xac: {  	_ =	task [dreg:s8], $0x5FFFF  }
0xad: {  	[dreg:$0x1] =	wrdreg $0xFFFFFFFF  }
0xae: {  	[dreg:$0x0] =	wrdreg $0x60  }
0xaf: {  	[dreg:$0x2] =	wrdreg s24  }
0xb0: {  	[dreg:$0x3] =	wrdreg s2  }
0xb1: {  	[dreg:$0x4] =	wrdreg s18  }
0xb2: {  	[dreg:$0x5] =	wrdreg $0x9  }
0xb3: {  	_ =	task.clear_ibuf [dreg:s8], $0x6FFFF;
	_ =	strace $0x90000046  }
0xb4: {  	s29 =	simm.s32 $0x9;
	_ =	strace $0x80000048  }
0xb5: {  	_ =	swait.ge [sflag:s29], $0x1  }
0xb6: {  	[sflag:s29] =	ssyncadd.s32 $0xFFFFFFFF  }
0xb7: {  	_ =	strace $0x90000048  }
0xb8: {  	_ =	sfence  }
0xb9: {  	s30 =	sld [smem:$0x0];
	_ =	sdelay $0x2  }
0xba: {  	s31 =	sshll.u32 s1, $0xD;
	s1 =	sshrl.u32 s1, $0x2  }
0xbb: {  	s3 =	sand.u32 $0x4000, s31;
	s1 =	sadd.s32 s1, s30  }
0xbc: {  	s0 =	sor.u32 s3, s0;
	s1 =	sshll.u32 s1, $0x11  }
0xbd: {  	s0 =	sor.u32 s1, s0  }
0xbe: {  	s0 =	sadd.s32 $0x8F2B, s0  }
0xbf: {  	[sflag:s0] =	ssyncadd.remote.s32 $0x1  }
0xc0: {  	_ =	sfence.sel $0xFFFF  }
0xc1: {  	[dreg:$0x0] =	wrdreg $0xFFFFFFFF;
	(pc) =	sbr.abs _section_cstart, $3  }
0xc2: {  	[dreg:$0x1] =	wrdreg $0xFFFFFFFF  }
0xc3: {  	_ =	task.clear_ibuf [dreg:s8], $0x2FFFF;
	_ =	strace $0x9FFFFFFF  }
0xc4: {  	(tm) =	ssettm $0x7FFFFFFF  }
0xc5: {  	_ =	shalt  }
tec
execute0_lowered:
.L_overlay_start_1:
0x0: {  	(tag) =	ssettag $0x1  }
0x1: {  	s0 =	rddreg [dreg:$0x0]  }
0x2: {  	s2 =	rddreg [dreg:$0x1];
	s1 =	srdreg.scid  }
0x3: {  	s13 =	stileid.u32;
	s4 =	rddreg [dreg:$0x2];
	s29 =	simm.s32 $0x1800  }
0x4: {  	s17 =	simm.s32 $0x2000;
	s28 =	simm.s32 $0x3000;
	s18 =	simm.s32 $0x3800  }
0x5: {  	s19 =	simm.s32 $0x6000;
	s31 =	simm.s32 $0x7000;
	s30 =	simm.s32 $0x8000  }
0x6: {  	s15 =	simm.s32 $0x5;
	s16 =	simm.s32 $0x0;
	s1 =	sand.u32 $0x1, s1  }
0x7: {  	s3 =	sshll.u32 s13, $0x1;
	s7 =	sadd.s32 $0x300, s2;
	s8 =	sadd.s32 $0x400, s2  }
0x8: {  	s9 =	sadd.s32 $0x500, s2;
	s11 =	sadd.s32 $0x700, s2;
	s23 =	sshll.u32 s13, $0x12  }
0x9: {  	s13 =	simm.s32 $0x4;
	s10 =	sor.u32 s1, s3;
	s3 =	simm.s32 $0x0  }
0xa: {  	s6 =	ssub.s32 $0x2, s1;
	s1 =	sshll.u32 s1, $0x11;
	s5 =	sshll.u32 s10, $0x9  }
0xb: {  	[smem:$0x7FF] =	sst s3;
	s20 =	sshrl.u32 s6, $0x1;
	s21 =	sshll.u32 s10, $0x11  }
0xc: {  	s10 =	sadd.s32 $0x600, s2;
	s0 =	sadd.s32 s5, s0;
	_ =	strace $0x80000047  }
0xd: {  	s12 =	ssub.s32 s6, s20;
	s14 =	sadd.s32 s4, s21;
	[dreg:$0xc] =	wrdreg s16  }
0xe: {  	s5 =	sadd.s32 $0x100, s2;
	s0 =	sadd.s32 $0x400, s0;
	[dreg:$0x6] =	wrdreg s14  }
0xf: {  	s6 =	sadd.s32 $0x200, s2;
	s22 =	sadd.s32 $0x2000, s14;
	[dreg:$0x5] =	wrdreg s0  }
0x10: {  	s20 =	simm.s32 $0x4000;
	s24 =	sadd.s32 $0x1E000, s14;
	[dreg:$0x8] =	wrdreg s22  }
0x11: {  	s21 =	simm.s32 $0x5000;
	s25 =	sadd.s32 $0x1F000, s14;
	[dreg:$0x9] =	wrdreg s24  }
0x12: {  	s26 =	smax.u32 s12, $0x1;
	s12 =	simm.s32 $0x2800;
	[dreg:$0xa] =	wrdreg s25  }
0x13: {  	s0 =	sadd.s32 $0x1000, s14;
	[dreg:$0xb] =	wrdreg s26;
	s14 =	simm.s32 $0x7800  }
0x14: {  	s22 =	simm.s32 $0x10800;
	s24 =	simm.s32 $0x2;
	s25 =	simm.s32 $0x3  }
0x15: {  	v2 =	vlaneseq.u32;
	s26 =	simm.s32 $0x6;
	[dreg:$0x7] =	wrdreg s0;
	s0 =	sadd.s32 s23, s4  }
0x16: {  	vm0 =	vmmov $0xffff;
	v1 =	vshrl.u32 v2, $0x3;
	s23 =	simm.s32 $0x6800;
	s4 =	simm.s32 $0x1;
	s0 =	sadd.s32 s1, s0  }
0x17: {  	v0 =	vand.u32 $0x7, v2;
	v2 =	vor.u32 $0x8, v2;
	v1 =	vmul.u32 $0x8, v1;
	s1 =	simm.s32 $0x4800;
	[dreg:$0x4] =	wrdreg s0;
	s0 =	simm.s32 $0x5800  }
.LBB2_1:
0x18: {  	s16 =	rddreg [dreg:$0x5]  }
0x19: {  	[tilespmem:s3], [sflag:$0x7] =	stream.linear.gather [hbm4b:s16+s3], $0x1000, $0x38;
	[tilespmem:$0x19000] =	vst v63  }
0x1a: {  	s16 =	simm.s32 $0x7  }
0x1b: {  	_ =	swait.ge [sflag:s16], $0x1000  }
0x1c: {  	[sflag:s16] =	ssyncset.done $0x0  }
0x1d: {  	[sflag:s16] =	ssyncadd.s32 $0xFFFFF000  }
0x1e: {  	v3 =	vld [tilespmem:$0x0];
	_ =	sdelay $0x4  }
0x1f: {  	v4 =	vshll.u32 v3, $0x4  }
0x20: {  	v3 =	vand.u32 $0x7, v3;
	v4 =	vand.u32 $0xFFFFFF80, v4  }
0x21: {  	v3 =	vor.u32 v3, v4  }
0x22: {  	v4 =	vperm.xlane v3, v0;
	_ =	sdelay $0x1  }
0x23: {  	v4 =	vadd.s32 v1, v4;
	_ =	sdelay $0x3  }
0x24: {  	s16 =	simm.s32 $0x1000  }
0x25: {  	[tilespmem:s16], [sflag:$0x1] =	stream.indirect_vreg.gather [hbm4b:s2+s3], $0x80, v4, vm0, $0xb8;
	[tilespmem:$0x19000] =	vst v63  }
0x26: {  	_ = 	snop  }
0x27: {  	[tilespmem:s29], [sflag:$0x1] =	stream.indirect_vreg.gather [hbm4b:s5+s3], $0x80, v4, vm0, $0xb8;
	[tilespmem:$0x19000] =	vst v63  }
0x28: {  	_ = 	snop  }
0x29: {  	[tilespmem:s17], [sflag:$0x1] =	stream.indirect_vreg.gather [hbm4b:s6+s3], $0x80, v4, vm0, $0xb8;
	[tilespmem:$0x19000] =	vst v63  }
0x2a: {  	_ = 	snop  }
0x2b: {  	[tilespmem:s12], [sflag:$0x1] =	stream.indirect_vreg.gather [hbm4b:s7+s3], $0x80, v4, vm0, $0xb8;
	[tilespmem:$0x19000] =	vst v63  }
0x2c: {  	_ = 	snop  }
0x2d: {  	[tilespmem:s28], [sflag:$0x1] =	stream.indirect_vreg.gather [hbm4b:s8+s3], $0x80, v4, vm0, $0xb8;
	[tilespmem:$0x19000] =	vst v63  }
0x2e: {  	v3 =	vperm.xlane v3, v2  }
0x2f: {  	[tilespmem:s18], [sflag:$0x1] =	stream.indirect_vreg.gather [hbm4b:s9+s3], $0x80, v4, vm0, $0xb8;
	[tilespmem:$0x19000] =	vst v63  }
0x30: {  	v3 =	vadd.s32 v1, v3  }
0x31: {  	[tilespmem:s20], [sflag:$0x1] =	stream.indirect_vreg.gather [hbm4b:s10+s3], $0x80, v4, vm0, $0xb8;
	[tilespmem:$0x19000] =	vst v63  }
0x32: {  	_ = 	snop  }
0x33: {  	[tilespmem:s1], [sflag:$0x1] =	stream.indirect_vreg.gather [hbm4b:s11+s3], $0x80, v4, vm0, $0xb8;
	[tilespmem:$0x19000] =	vst v63  }
0x34: {  	_ = 	snop  }
0x35: {  	[tilespmem:s21], [sflag:$0x1] =	stream.indirect_vreg.gather [hbm4b:s2+s3], $0x80, v3, vm0, $0xb8;
	[tilespmem:$0x19000] =	vst v63  }
0x36: {  	_ = 	snop  }
0x37: {  	[tilespmem:s0], [sflag:$0x1] =	stream.indirect_vreg.gather [hbm4b:s5+s3], $0x80, v3, vm0, $0xb8;
	[tilespmem:$0x19000] =	vst v63  }
0x38: {  	_ = 	snop  }
0x39: {  	[tilespmem:s19], [sflag:$0x1] =	stream.indirect_vreg.gather [hbm4b:s6+s3], $0x80, v3, vm0, $0xb8;
	[tilespmem:$0x19000] =	vst v63  }
0x3a: {  	_ = 	snop  }
0x3b: {  	[tilespmem:s23], [sflag:$0x1] =	stream.indirect_vreg.gather [hbm4b:s7+s3], $0x80, v3, vm0, $0xb8;
	[tilespmem:$0x19000] =	vst v63  }
0x3c: {  	_ = 	snop  }
0x3d: {  	[tilespmem:s31], [sflag:$0x1] =	stream.indirect_vreg.gather [hbm4b:s8+s3], $0x80, v3, vm0, $0xb8;
	[tilespmem:$0x19000] =	vst v63  }
0x3e: {  	_ = 	snop  }
0x3f: {  	[tilespmem:s14], [sflag:$0x1] =	stream.indirect_vreg.gather [hbm4b:s9+s3], $0x80, v3, vm0, $0xb8;
	[tilespmem:$0x19000] =	vst v63  }
0x40: {  	_ = 	snop  }
0x41: {  	[tilespmem:s30], [sflag:$0x1] =	stream.indirect_vreg.gather [hbm4b:s10+s3], $0x80, v3, vm0, $0xb8;
	[tilespmem:$0x19000] =	vst v63  }
0x42: {  	s16 =	simm.s32 $0x8800  }
0x43: {  	[tilespmem:s16], [sflag:$0x1] =	stream.indirect_vreg.gather [hbm4b:s11+s3], $0x80, v3, vm0, $0xb8;
	[tilespmem:$0x19000] =	vst v63  }
0x44: {  	v3 =	vld [tilespmem:$0x80];
	_ =	sdelay $0x4  }
0x45: {  	v60 =	vshll.u32 v3, $0x4  }
0x46: {  	v3 =	vand.u32 $0x7, v3;
	v4 =	vand.u32 $0xFFFFFF80, v60  }
0x47: {  	v3 =	vor.u32 v3, v4  }
0x48: {  	v4 =	vperm.xlane v3, v0;
	_ =	sdelay $0x1  }
0x49: {  	v4 =	vadd.s32 v1, v4;
	_ =	sdelay $0x3  }
0x4a: {  	s14 =	simm.s32 $0x9000  }
0x4b: {  	[tilespmem:s14], [sflag:$0x2] =	stream.indirect_vreg.gather [hbm4b:s2+s3], $0x80, v4, vm0, $0xb8;
	[tilespmem:$0x19000] =	vst v63  }
0x4c: {  	s14 =	simm.s32 $0x9800  }
0x4d: {  	[tilespmem:s14], [sflag:$0x2] =	stream.indirect_vreg.gather [hbm4b:s5+s3], $0x80, v4, vm0, $0xb8;
	[tilespmem:$0x19000] =	vst v63  }
0x4e: {  	s14 =	simm.s32 $0xA000  }
0x4f: {  	[tilespmem:s14], [sflag:$0x2] =	stream.indirect_vreg.gather [hbm4b:s6+s3], $0x80, v4, vm0, $0xb8;
	[tilespmem:$0x19000] =	vst v63  }
0x50: {  	s14 =	simm.s32 $0xA800  }
0x51: {  	[tilespmem:s14], [sflag:$0x2] =	stream.indirect_vreg.gather [hbm4b:s7+s3], $0x80, v4, vm0, $0xb8;
	[tilespmem:$0x19000] =	vst v63  }
0x52: {  	s14 =	simm.s32 $0xB000  }
0x53: {  	[tilespmem:s14], [sflag:$0x2] =	stream.indirect_vreg.gather [hbm4b:s8+s3], $0x80, v4, vm0, $0xb8;
	[tilespmem:$0x19000] =	vst v63  }
0x54: {  	v3 =	vperm.xlane v3, v2;
	s14 =	simm.s32 $0xB800  }
0x55: {  	[tilespmem:s14], [sflag:$0x2] =	stream.indirect_vreg.gather [hbm4b:s9+s3], $0x80, v4, vm0, $0xb8;
	[tilespmem:$0x19000] =	vst v63  }
0x56: {  	v3 =	vadd.s32 v1, v3;
	s14 =	simm.s32 $0xC000  }
0x57: {  	[tilespmem:s14], [sflag:$0x2] =	stream.indirect_vreg.gather [hbm4b:s10+s3], $0x80, v4, vm0, $0xb8;
	[tilespmem:$0x19000] =	vst v63  }
0x58: {  	s14 =	simm.s32 $0xC800  }
0x59: {  	[tilespmem:s14], [sflag:$0x2] =	stream.indirect_vreg.gather [hbm4b:s11+s3], $0x80, v4, vm0, $0xb8;
	[tilespmem:$0x19000] =	vst v63  }
0x5a: {  	s14 =	simm.s32 $0xD000  }
0x5b: {  	[tilespmem:s14], [sflag:$0x2] =	stream.indirect_vreg.gather [hbm4b:s2+s3], $0x80, v3, vm0, $0xb8;
	[tilespmem:$0x19000] =	vst v63  }
0x5c: {  	s14 =	simm.s32 $0xD800  }
0x5d: {  	[tilespmem:s14], [sflag:$0x2] =	stream.indirect_vreg.gather [hbm4b:s5+s3], $0x80, v3, vm0, $0xb8;
	[tilespmem:$0x19000] =	vst v63  }
0x5e: {  	s14 =	simm.s32 $0xE000  }
0x5f: {  	[tilespmem:s14], [sflag:$0x2] =	stream.indirect_vreg.gather [hbm4b:s6+s3], $0x80, v3, vm0, $0xb8;
	[tilespmem:$0x19000] =	vst v63  }
0x60: {  	s14 =	simm.s32 $0xE800  }
0x61: {  	[tilespmem:s14], [sflag:$0x2] =	stream.indirect_vreg.gather [hbm4b:s7+s3], $0x80, v3, vm0, $0xb8;
	[tilespmem:$0x19000] =	vst v63  }
0x62: {  	s14 =	simm.s32 $0xF000  }
0x63: {  	[tilespmem:s14], [sflag:$0x2] =	stream.indirect_vreg.gather [hbm4b:s8+s3], $0x80, v3, vm0, $0xb8;
	[tilespmem:$0x19000] =	vst v63  }
0x64: {  	s14 =	simm.s32 $0xF800  }
0x65: {  	[tilespmem:s14], [sflag:$0x2] =	stream.indirect_vreg.gather [hbm4b:s9+s3], $0x80, v3, vm0, $0xb8;
	[tilespmem:$0x19000] =	vst v63  }
0x66: {  	s14 =	simm.s32 $0x10000  }
0x67: {  	[tilespmem:s14], [sflag:$0x2] =	stream.indirect_vreg.gather [hbm4b:s10+s3], $0x80, v3, vm0, $0xb8;
	[tilespmem:$0x19000] =	vst v63  }
0x68: {  	_ = 	snop  }
0x69: {  	[tilespmem:s22], [sflag:$0x2] =	stream.indirect_vreg.gather [hbm4b:s11+s3], $0x80, v3, vm0, $0xb8;
	[tilespmem:$0x19000] =	vst v63  }
0x6a: {  	v3 =	vld [tilespmem:$0x100];
	_ =	sdelay $0x4  }
0x6b: {  	v61 =	vshll.u32 v3, $0x4  }
0x6c: {  	v3 =	vand.u32 $0x7, v3;
	v4 =	vand.u32 $0xFFFFFF80, v61  }
0x6d: {  	v3 =	vor.u32 v3, v4  }
0x6e: {  	v4 =	vperm.xlane v3, v0;
	_ =	sdelay $0x1  }
0x6f: {  	v4 =	vadd.s32 v1, v4;
	_ =	sdelay $0x3  }
0x70: {  	s22 =	simm.s32 $0x11000  }
0x71: {  	[tilespmem:s22], [sflag:$0x3] =	stream.indirect_vreg.gather [hbm4b:s2+s3], $0x80, v4, vm0, $0xb8;
	[tilespmem:$0x19000] =	vst v63  }
0x72: {  	s14 =	simm.s32 $0x11800  }
0x73: {  	[tilespmem:s14], [sflag:$0x3] =	stream.indirect_vreg.gather [hbm4b:s5+s3], $0x80, v4, vm0, $0xb8;
	[tilespmem:$0x19000] =	vst v63  }
0x74: {  	s14 =	simm.s32 $0x12000  }
0x75: {  	[tilespmem:s14], [sflag:$0x3] =	stream.indirect_vreg.gather [hbm4b:s6+s3], $0x80, v4, vm0, $0xb8;
	[tilespmem:$0x19000] =	vst v63  }
0x76: {  	s14 =	simm.s32 $0x12800  }
0x77: {  	[tilespmem:s14], [sflag:$0x3] =	stream.indirect_vreg.gather [hbm4b:s7+s3], $0x80, v4, vm0, $0xb8;
	[tilespmem:$0x19000] =	vst v63  }
0x78: {  	s14 =	simm.s32 $0x13000  }
0x79: {  	[tilespmem:s14], [sflag:$0x3] =	stream.indirect_vreg.gather [hbm4b:s8+s3], $0x80, v4, vm0, $0xb8;
	[tilespmem:$0x19000] =	vst v63  }
0x7a: {  	v3 =	vperm.xlane v3, v2;
	s14 =	simm.s32 $0x13800  }
0x7b: {  	[tilespmem:s14], [sflag:$0x3] =	stream.indirect_vreg.gather [hbm4b:s9+s3], $0x80, v4, vm0, $0xb8;
	[tilespmem:$0x19000] =	vst v63  }
0x7c: {  	v3 =	vadd.s32 v1, v3;
	s14 =	simm.s32 $0x14000  }
0x7d: {  	[tilespmem:s14], [sflag:$0x3] =	stream.indirect_vreg.gather [hbm4b:s10+s3], $0x80, v4, vm0, $0xb8;
	[tilespmem:$0x19000] =	vst v63  }
0x7e: {  	s14 =	simm.s32 $0x14800  }
0x7f: {  	[tilespmem:s14], [sflag:$0x3] =	stream.indirect_vreg.gather [hbm4b:s11+s3], $0x80, v4, vm0, $0xb8;
	[tilespmem:$0x19000] =	vst v63  }
0x80: {  	s14 =	simm.s32 $0x15000  }
0x81: {  	[tilespmem:s14], [sflag:$0x3] =	stream.indirect_vreg.gather [hbm4b:s2+s3], $0x80, v3, vm0, $0xb8;
	[tilespmem:$0x19000] =	vst v63  }
0x82: {  	s14 =	simm.s32 $0x15800  }
0x83: {  	[tilespmem:s14], [sflag:$0x3] =	stream.indirect_vreg.gather [hbm4b:s5+s3], $0x80, v3, vm0, $0xb8;
	[tilespmem:$0x19000] =	vst v63  }
0x84: {  	s14 =	simm.s32 $0x16000  }
0x85: {  	[tilespmem:s14], [sflag:$0x3] =	stream.indirect_vreg.gather [hbm4b:s6+s3], $0x80, v3, vm0, $0xb8;
	[tilespmem:$0x19000] =	vst v63  }
0x86: {  	s14 =	simm.s32 $0x16800  }
0x87: {  	[tilespmem:s14], [sflag:$0x3] =	stream.indirect_vreg.gather [hbm4b:s7+s3], $0x80, v3, vm0, $0xb8;
	[tilespmem:$0x19000] =	vst v63  }
0x88: {  	s14 =	simm.s32 $0x17000  }
0x89: {  	[tilespmem:s14], [sflag:$0x3] =	stream.indirect_vreg.gather [hbm4b:s8+s3], $0x80, v3, vm0, $0xb8;
	[tilespmem:$0x19000] =	vst v63  }
0x8a: {  	s14 =	simm.s32 $0x17800  }
0x8b: {  	[tilespmem:s14], [sflag:$0x3] =	stream.indirect_vreg.gather [hbm4b:s9+s3], $0x80, v3, vm0, $0xb8;
	[tilespmem:$0x19000] =	vst v63  }
0x8c: {  	s14 =	simm.s32 $0x18000  }
0x8d: {  	[tilespmem:s14], [sflag:$0x3] =	stream.indirect_vreg.gather [hbm4b:s10+s3], $0x80, v3, vm0, $0xb8;
	[tilespmem:$0x19000] =	vst v63  }
0x8e: {  	s14 =	simm.s32 $0x18800  }
0x8f: {  	[tilespmem:s14], [sflag:$0x3] =	stream.indirect_vreg.gather [hbm4b:s11+s3], $0x80, v3, vm0, $0xb8;
	[tilespmem:$0x19000] =	vst v63  }
0x90: {  	_ =	swait.ge [sflag:s4], $0x8000  }
0x91: {  	[sflag:s4] =	ssyncset.done $0x0  }
0x92: {  	s14 =	simm.s32 $0x1000;
	s16 =	rddreg [dreg:$0x6];
	[sflag:s4] =	ssyncadd.s32 $0xFFFF8000  }
0x93: {  	[hbm4b:s16+s3] =	stream.linear.scatter [tilespmem:s14], [sflag:$0x4], $0x8000, $0x38;
	[tilespmem:$0x19000] =	vst v63  }
0x94: {  	_ =	swait.ge [sflag:s24], $0x8000  }
0x95: {  	[sflag:s24] =	ssyncset.done $0x0  }
0x96: {  	s14 =	simm.s32 $0x9000;
	s16 =	rddreg [dreg:$0x7];
	[sflag:s24] =	ssyncadd.s32 $0xFFFF8000  }
0x97: {  	[hbm4b:s16+s3] =	stream.linear.scatter [tilespmem:s14], [sflag:$0x5], $0x8000, $0x38;
	[tilespmem:$0x19000] =	vst v63  }
0x98: {  	_ =	swait.ge [sflag:s13], $0x8000  }
0x99: {  	[sflag:s13] =	ssyncset.done $0x0  }
0x9a: {  	[sflag:s13] =	ssyncadd.s32 $0xFFFF8000  }
0x9b: {  	v3 =	vld [tilespmem:$0x180];
	_ =	sdelay $0x4  }
0x9c: {  	v62 =	vshll.u32 v3, $0x4  }
0x9d: {  	v3 =	vand.u32 $0x7, v3;
	v4 =	vand.u32 $0xFFFFFF80, v62  }
0x9e: {  	v3 =	vor.u32 v3, v4  }
0x9f: {  	v4 =	vperm.xlane v3, v0;
	_ =	sdelay $0x1  }
0xa0: {  	v4 =	vadd.s32 v1, v4;
	_ =	sdelay $0x3  }
0xa1: {  	s16 =	simm.s32 $0x1000  }
0xa2: {  	[tilespmem:s16], [sflag:$0x1] =	stream.indirect_vreg.gather [hbm4b:s2+s3], $0x80, v4, vm0, $0xb8;
	[tilespmem:$0x19000] =	vst v63  }
0xa3: {  	_ = 	snop  }
0xa4: {  	[tilespmem:s29], [sflag:$0x1] =	stream.indirect_vreg.gather [hbm4b:s5+s3], $0x80, v4, vm0, $0xb8;
	[tilespmem:$0x19000] =	vst v63  }
0xa5: {  	_ = 	snop  }
0xa6: {  	[tilespmem:s17], [sflag:$0x1] =	stream.indirect_vreg.gather [hbm4b:s6+s3], $0x80, v4, vm0, $0xb8;
	[tilespmem:$0x19000] =	vst v63  }
0xa7: {  	_ = 	snop  }
0xa8: {  	[tilespmem:s12], [sflag:$0x1] =	stream.indirect_vreg.gather [hbm4b:s7+s3], $0x80, v4, vm0, $0xb8;
	[tilespmem:$0x19000] =	vst v63  }
0xa9: {  	_ = 	snop  }
0xaa: {  	[tilespmem:s28], [sflag:$0x1] =	stream.indirect_vreg.gather [hbm4b:s8+s3], $0x80, v4, vm0, $0xb8;
	[tilespmem:$0x19000] =	vst v63  }
0xab: {  	v3 =	vperm.xlane v3, v2  }
0xac: {  	[tilespmem:s18], [sflag:$0x1] =	stream.indirect_vreg.gather [hbm4b:s9+s3], $0x80, v4, vm0, $0xb8;
	[tilespmem:$0x19000] =	vst v63  }
0xad: {  	v3 =	vadd.s32 v1, v3  }
0xae: {  	[tilespmem:s20], [sflag:$0x1] =	stream.indirect_vreg.gather [hbm4b:s10+s3], $0x80, v4, vm0, $0xb8;
	[tilespmem:$0x19000] =	vst v63  }
0xaf: {  	_ = 	snop  }
0xb0: {  	[tilespmem:s1], [sflag:$0x1] =	stream.indirect_vreg.gather [hbm4b:s11+s3], $0x80, v4, vm0, $0xb8;
	[tilespmem:$0x19000] =	vst v63  }
0xb1: {  	_ = 	snop  }
0xb2: {  	[tilespmem:s21], [sflag:$0x1] =	stream.indirect_vreg.gather [hbm4b:s2+s3], $0x80, v3, vm0, $0xb8;
	[tilespmem:$0x19000] =	vst v63  }
0xb3: {  	_ = 	snop  }
0xb4: {  	[tilespmem:s0], [sflag:$0x1] =	stream.indirect_vreg.gather [hbm4b:s5+s3], $0x80, v3, vm0, $0xb8;
	[tilespmem:$0x19000] =	vst v63  }
0xb5: {  	_ = 	snop  }
0xb6: {  	[tilespmem:s19], [sflag:$0x1] =	stream.indirect_vreg.gather [hbm4b:s6+s3], $0x80, v3, vm0, $0xb8;
	[tilespmem:$0x19000] =	vst v63  }
0xb7: {  	_ = 	snop  }
0xb8: {  	[tilespmem:s23], [sflag:$0x1] =	stream.indirect_vreg.gather [hbm4b:s7+s3], $0x80, v3, vm0, $0xb8;
	[tilespmem:$0x19000] =	vst v63  }
0xb9: {  	_ = 	snop  }
0xba: {  	[tilespmem:s31], [sflag:$0x1] =	stream.indirect_vreg.gather [hbm4b:s8+s3], $0x80, v3, vm0, $0xb8;
	[tilespmem:$0x19000] =	vst v63  }
0xbb: {  	s19 =	simm.s32 $0x7800  }
0xbc: {  	[tilespmem:s19], [sflag:$0x1] =	stream.indirect_vreg.gather [hbm4b:s9+s3], $0x80, v3, vm0, $0xb8;
	[tilespmem:$0x19000] =	vst v63  }
0xbd: {  	_ = 	snop  }
0xbe: {  	[tilespmem:s30], [sflag:$0x1] =	stream.indirect_vreg.gather [hbm4b:s10+s3], $0x80, v3, vm0, $0xb8;
	[tilespmem:$0x19000] =	vst v63  }
0xbf: {  	s20 =	simm.s32 $0x8800  }
0xc0: {  	[tilespmem:s20], [sflag:$0x1] =	stream.indirect_vreg.gather [hbm4b:s11+s3], $0x80, v3, vm0, $0xb8;
	[tilespmem:$0x19000] =	vst v63  }
0xc1: {  	_ =	swait.ge [sflag:s25], $0x8000  }
0xc2: {  	[sflag:s25] =	ssyncset.done $0x0  }
0xc3: {  	s21 =	rddreg [dreg:$0x8];
	[sflag:s25] =	ssyncadd.s32 $0xFFFF8000  }
0xc4: {  	[hbm4b:s21+s3] =	stream.linear.scatter [tilespmem:s22], [sflag:$0x6], $0x8000, $0x38;
	[tilespmem:$0x19000] =	vst v63  }
0xc5: {  	_ =	swait.ge [sflag:s15], $0x8000  }
0xc6: {  	[sflag:s15] =	ssyncset.done $0x0  }
0xc7: {  	[sflag:s15] =	ssyncadd.s32 $0xFFFF8000  }
0xc8: {  	v3 =	vld [tilespmem:$0x200];
	_ =	sdelay $0x4  }
0xc9: {  	v63 =	vshll.u32 v3, $0x4  }
0xca: {  	v3 =	vand.u32 $0x7, v3;
	v4 =	vand.u32 $0xFFFFFF80, v63  }
0xcb: {  	v3 =	vor.u32 v3, v4  }
0xcc: {  	v4 =	vperm.xlane v3, v0;
	_ =	sdelay $0x1  }
0xcd: {  	v4 =	vadd.s32 v1, v4;
	_ =	sdelay $0x3  }
0xce: {  	s14 =	simm.s32 $0x9000  }
0xcf: {  	[tilespmem:s14], [sflag:$0x2] =	stream.indirect_vreg.gather [hbm4b:s2+s3], $0x80, v4, vm0, $0xb8;
	[tilespmem:$0x19000] =	vst v63  }
0xd0: {  	s23 =	simm.s32 $0x9800  }
0xd1: {  	[tilespmem:s23], [sflag:$0x2] =	stream.indirect_vreg.gather [hbm4b:s5+s3], $0x80, v4, vm0, $0xb8;
	[tilespmem:$0x19000] =	vst v63  }
0xd2: {  	s29 =	simm.s32 $0xA000  }
0xd3: {  	[tilespmem:s29], [sflag:$0x2] =	stream.indirect_vreg.gather [hbm4b:s6+s3], $0x80, v4, vm0, $0xb8;
	[tilespmem:$0x19000] =	vst v63  }
0xd4: {  	s31 =	simm.s32 $0xA800  }
0xd5: {  	[tilespmem:s31], [sflag:$0x2] =	stream.indirect_vreg.gather [hbm4b:s7+s3], $0x80, v4, vm0, $0xb8;
	[tilespmem:$0x19000] =	vst v63  }
0xd6: {  	s1 =	simm.s32 $0xB000  }
0xd7: {  	[tilespmem:s1], [sflag:$0x2] =	stream.indirect_vreg.gather [hbm4b:s8+s3], $0x80, v4, vm0, $0xb8;
	[tilespmem:$0x19000] =	vst v63  }
0xd8: {  	s12 =	simm.s32 $0xB800;
	v3 =	vperm.xlane v3, v2  }
0xd9: {  	[tilespmem:s12], [sflag:$0x2] =	stream.indirect_vreg.gather [hbm4b:s9+s3], $0x80, v4, vm0, $0xb8;
	[tilespmem:$0x19000] =	vst v63  }
0xda: {  	v3 =	vadd.s32 v1, v3;
	s14 =	simm.s32 $0xC000  }
0xdb: {  	[tilespmem:s14], [sflag:$0x2] =	stream.indirect_vreg.gather [hbm4b:s10+s3], $0x80, v4, vm0, $0xb8;
	[tilespmem:$0x19000] =	vst v63  }
0xdc: {  	s16 =	simm.s32 $0xC800  }
0xdd: {  	[tilespmem:s16], [sflag:$0x2] =	stream.indirect_vreg.gather [hbm4b:s11+s3], $0x80, v4, vm0, $0xb8;
	[tilespmem:$0x19000] =	vst v63  }
0xde: {  	s17 =	simm.s32 $0xD000  }
0xdf: {  	[tilespmem:s17], [sflag:$0x2] =	stream.indirect_vreg.gather [hbm4b:s2+s3], $0x80, v3, vm0, $0xb8;
	[tilespmem:$0x19000] =	vst v63  }
0xe0: {  	s18 =	simm.s32 $0xD800  }
0xe1: {  	[tilespmem:s18], [sflag:$0x2] =	stream.indirect_vreg.gather [hbm4b:s5+s3], $0x80, v3, vm0, $0xb8;
	[tilespmem:$0x19000] =	vst v63  }
0xe2: {  	s19 =	simm.s32 $0xE000  }
0xe3: {  	[tilespmem:s19], [sflag:$0x2] =	stream.indirect_vreg.gather [hbm4b:s6+s3], $0x80, v3, vm0, $0xb8;
	[tilespmem:$0x19000] =	vst v63  }
0xe4: {  	s28 =	simm.s32 $0x0;
	s20 =	simm.s32 $0xE800  }
0xe5: {  	[tilespmem:s20], [sflag:$0x2] =	stream.indirect_vreg.gather [hbm4b:s7+s3], $0x80, v3, vm0, $0xb8;
	[tilespmem:$0x19000] =	vst v63  }
0xe6: {  	s30 =	simm.s32 $0x2800;
	s21 =	simm.s32 $0xF000;
	s23 =	simm.s32 $0xF800  }
0xe7: {  	[tilespmem:s21], [sflag:$0x2] =	stream.indirect_vreg.gather [hbm4b:s8+s3], $0x80, v3, vm0, $0xb8;
	[tilespmem:$0x19000] =	vst v63  }
0xe8: {  	s29 =	simm.s32 $0x10000;
	s31 =	simm.s32 $0x10800;
	s1 =	simm.s32 $0x4000  }
0xe9: {  	[tilespmem:s23], [sflag:$0x2] =	stream.indirect_vreg.gather [hbm4b:s9+s3], $0x80, v3, vm0, $0xb8;
	[tilespmem:$0x19000] =	vst v63  }
0xea: {  	s12 =	simm.s32 $0x2000;
	s16 =	simm.s32 $0x380;
	s18 =	simm.s32 $0x3000  }
0xeb: {  	[tilespmem:s29], [sflag:$0x2] =	stream.indirect_vreg.gather [hbm4b:s10+s3], $0x80, v3, vm0, $0xb8;
	[tilespmem:$0x19000] =	vst v63  }
0xec: {  	s19 =	simm.s32 $0x7800;
	s20 =	simm.s32 $0x8000;
	s23 =	simm.s32 $0x6000  }
0xed: {  	[tilespmem:s31], [sflag:$0x2] =	stream.indirect_vreg.gather [hbm4b:s11+s3], $0x80, v3, vm0, $0xb8;
	[tilespmem:$0x19000] =	vst v63  }
.LBB2_2:
0xee: {  	_ =	swait.ge [sflag:s4], $0x8000  }
0xef: {  	s17 =	rddreg [dreg:$0x4]  }
0xf0: {  	[sflag:s4] =	ssyncset.done $0x0;
	s17 =	sadd.s32 s28, s17  }
0xf1: {  	s31 =	simm.s32 $0x1000;
	[sflag:s4] =	ssyncadd.s32 $0xFFFF8000;
	s29 =	sadd.s32 $0x3000, s17  }
0xf2: {  	[hbm4b:s29+s3] =	stream.linear.scatter [tilespmem:s31], [sflag:$0x4], $0x8000, $0x38;
	[tilespmem:$0x19000] =	vst v63  }
0xf3: {  	_ =	swait.ge [sflag:s26], $0x8000  }
0xf4: {  	[sflag:s26] =	ssyncset.done $0x0  }
0xf5: {  	[sflag:s26] =	ssyncadd.s32 $0xFFFF8000  }
0xf6: {  	v3 =	vld [tilespmem:s16+$0xFFFFFF00];
	_ =	sdelay $0x4  }
0xf7: {  	v4 =	vshll.u32 v3, $0x4  }
0xf8: {  	v3 =	vand.u32 $0x7, v3;
	v4 =	vand.u32 $0xFFFFFF80, v4  }
0xf9: {  	v3 =	vor.u32 v3, v4  }
0xfa: {  	v4 =	vperm.xlane v3, v0;
	_ =	sdelay $0x1  }
0xfb: {  	v4 =	vadd.s32 v1, v4;
	_ =	sdelay $0x4  }
0xfc: {  	[tilespmem:s22], [sflag:$0x3] =	stream.indirect_vreg.gather [hbm4b:s2+s3], $0x80, v4, vm0, $0xb8;
	[tilespmem:$0x19000] =	vst v63  }
0xfd: {  	s0 =	simm.s32 $0x11800  }
0xfe: {  	[tilespmem:s0], [sflag:$0x3] =	stream.indirect_vreg.gather [hbm4b:s5+s3], $0x80, v4, vm0, $0xb8;
	[tilespmem:$0x19000] =	vst v63  }
0xff: {  	s21 =	simm.s32 $0x12000  }
0x100: {  	[tilespmem:s21], [sflag:$0x3] =	stream.indirect_vreg.gather [hbm4b:s6+s3], $0x80, v4, vm0, $0xb8;
	[tilespmem:$0x19000] =	vst v63  }
0x101: {  	s14 =	simm.s32 $0x12800  }
0x102: {  	[tilespmem:s14], [sflag:$0x3] =	stream.indirect_vreg.gather [hbm4b:s7+s3], $0x80, v4, vm0, $0xb8;
	[tilespmem:$0x19000] =	vst v63  }
0x103: {  	s21 =	simm.s32 $0x13000  }
0x104: {  	[tilespmem:s21], [sflag:$0x3] =	stream.indirect_vreg.gather [hbm4b:s8+s3], $0x80, v4, vm0, $0xb8;
	[tilespmem:$0x19000] =	vst v63  }
0x105: {  	v3 =	vperm.xlane v3, v2;
	s14 =	simm.s32 $0x13800  }
0x106: {  	[tilespmem:s14], [sflag:$0x3] =	stream.indirect_vreg.gather [hbm4b:s9+s3], $0x80, v4, vm0, $0xb8;
	[tilespmem:$0x19000] =	vst v63  }
0x107: {  	v3 =	vadd.s32 v1, v3;
	s21 =	simm.s32 $0x14000  }
0x108: {  	[tilespmem:s21], [sflag:$0x3] =	stream.indirect_vreg.gather [hbm4b:s10+s3], $0x80, v4, vm0, $0xb8;
	[tilespmem:$0x19000] =	vst v63  }
0x109: {  	s14 =	simm.s32 $0x14800  }
0x10a: {  	[tilespmem:s14], [sflag:$0x3] =	stream.indirect_vreg.gather [hbm4b:s11+s3], $0x80, v4, vm0, $0xb8;
	[tilespmem:$0x19000] =	vst v63  }
0x10b: {  	s21 =	simm.s32 $0x15000  }
0x10c: {  	[tilespmem:s21], [sflag:$0x3] =	stream.indirect_vreg.gather [hbm4b:s2+s3], $0x80, v3, vm0, $0xb8;
	[tilespmem:$0x19000] =	vst v63  }
0x10d: {  	s14 =	simm.s32 $0x15800  }
0x10e: {  	[tilespmem:s14], [sflag:$0x3] =	stream.indirect_vreg.gather [hbm4b:s5+s3], $0x80, v3, vm0, $0xb8;
	[tilespmem:$0x19000] =	vst v63  }
0x10f: {  	s21 =	simm.s32 $0x16000  }
0x110: {  	[tilespmem:s21], [sflag:$0x3] =	stream.indirect_vreg.gather [hbm4b:s6+s3], $0x80, v3, vm0, $0xb8;
	[tilespmem:$0x19000] =	vst v63  }
0x111: {  	s14 =	simm.s32 $0x16800  }
0x112: {  	[tilespmem:s14], [sflag:$0x3] =	stream.indirect_vreg.gather [hbm4b:s7+s3], $0x80, v3, vm0, $0xb8;
	[tilespmem:$0x19000] =	vst v63  }
0x113: {  	s21 =	simm.s32 $0x17000  }
0x114: {  	[tilespmem:s21], [sflag:$0x3] =	stream.indirect_vreg.gather [hbm4b:s8+s3], $0x80, v3, vm0, $0xb8;
	[tilespmem:$0x19000] =	vst v63  }
0x115: {  	s14 =	simm.s32 $0x17800  }
0x116: {  	[tilespmem:s14], [sflag:$0x3] =	stream.indirect_vreg.gather [hbm4b:s9+s3], $0x80, v3, vm0, $0xb8;
	[tilespmem:$0x19000] =	vst v63  }
0x117: {  	s21 =	simm.s32 $0x18000  }
0x118: {  	[tilespmem:s21], [sflag:$0x3] =	stream.indirect_vreg.gather [hbm4b:s10+s3], $0x80, v3, vm0, $0xb8;
	[tilespmem:$0x19000] =	vst v63  }
0x119: {  	s14 =	simm.s32 $0x18800  }
0x11a: {  	[tilespmem:s14], [sflag:$0x3] =	stream.indirect_vreg.gather [hbm4b:s11+s3], $0x80, v3, vm0, $0xb8;
	[tilespmem:$0x19000] =	vst v63  }
0x11b: {  	_ =	swait.ge [sflag:s24], $0x8000  }
0x11c: {  	[sflag:s24] =	ssyncset.done $0x0  }
0x11d: {  	s29 =	sadd.s32 $0x4000, s17;
	s21 =	simm.s32 $0x9000;
	[sflag:s24] =	ssyncadd.s32 $0xFFFF8000  }
0x11e: {  	[hbm4b:s29+s3] =	stream.linear.scatter [tilespmem:s21], [sflag:$0x5], $0x8000, $0x38;
	[tilespmem:$0x19000] =	vst v63  }
0x11f: {  	_ =	swait.ge [sflag:s13], $0x8000  }
0x120: {  	[sflag:s13] =	ssyncset.done $0x0  }
0x121: {  	[sflag:s13] =	ssyncadd.s32 $0xFFFF8000  }
0x122: {  	v3 =	vld [tilespmem:s16+$0xFFFFFF80];
	_ =	sdelay $0x4  }
0x123: {  	v62 =	vshll.u32 v3, $0x4  }
0x124: {  	v3 =	vand.u32 $0x7, v3;
	v4 =	vand.u32 $0xFFFFFF80, v62  }
0x125: {  	v3 =	vor.u32 v3, v4  }
0x126: {  	v4 =	vperm.xlane v3, v0;
	_ =	sdelay $0x1  }
0x127: {  	v4 =	vadd.s32 v1, v4;
	_ =	sdelay $0x4  }
0x128: {  	[tilespmem:s31], [sflag:$0x1] =	stream.indirect_vreg.gather [hbm4b:s2+s3], $0x80, v4, vm0, $0xb8;
	[tilespmem:$0x19000] =	vst v63  }
0x129: {  	s29 =	simm.s32 $0x1800  }
0x12a: {  	[tilespmem:s29], [sflag:$0x1] =	stream.indirect_vreg.gather [hbm4b:s5+s3], $0x80, v4, vm0, $0xb8;
	[tilespmem:$0x19000] =	vst v63  }
0x12b: {  	_ = 	snop  }
0x12c: {  	[tilespmem:s12], [sflag:$0x1] =	stream.indirect_vreg.gather [hbm4b:s6+s3], $0x80, v4, vm0, $0xb8;
	[tilespmem:$0x19000] =	vst v63  }
0x12d: {  	_ = 	snop  }
0x12e: {  	[tilespmem:s30], [sflag:$0x1] =	stream.indirect_vreg.gather [hbm4b:s7+s3], $0x80, v4, vm0, $0xb8;
	[tilespmem:$0x19000] =	vst v63  }
0x12f: {  	_ = 	snop  }
0x130: {  	[tilespmem:s18], [sflag:$0x1] =	stream.indirect_vreg.gather [hbm4b:s8+s3], $0x80, v4, vm0, $0xb8;
	[tilespmem:$0x19000] =	vst v63  }
0x131: {  	s0 =	simm.s32 $0x3800;
	v3 =	vperm.xlane v3, v2  }
0x132: {  	[tilespmem:s0], [sflag:$0x1] =	stream.indirect_vreg.gather [hbm4b:s9+s3], $0x80, v4, vm0, $0xb8;
	[tilespmem:$0x19000] =	vst v63  }
0x133: {  	v3 =	vadd.s32 v1, v3  }
0x134: {  	[tilespmem:s1], [sflag:$0x1] =	stream.indirect_vreg.gather [hbm4b:s10+s3], $0x80, v4, vm0, $0xb8;
	[tilespmem:$0x19000] =	vst v63  }
0x135: {  	s0 =	simm.s32 $0x4800  }
0x136: {  	[tilespmem:s0], [sflag:$0x1] =	stream.indirect_vreg.gather [hbm4b:s11+s3], $0x80, v4, vm0, $0xb8;
	[tilespmem:$0x19000] =	vst v63  }
0x137: {  	s0 =	simm.s32 $0x5000  }
0x138: {  	[tilespmem:s0], [sflag:$0x1] =	stream.indirect_vreg.gather [hbm4b:s2+s3], $0x80, v3, vm0, $0xb8;
	[tilespmem:$0x19000] =	vst v63  }
0x139: {  	s0 =	simm.s32 $0x5800  }
0x13a: {  	[tilespmem:s0], [sflag:$0x1] =	stream.indirect_vreg.gather [hbm4b:s5+s3], $0x80, v3, vm0, $0xb8;
	[tilespmem:$0x19000] =	vst v63  }
0x13b: {  	_ = 	snop  }
0x13c: {  	[tilespmem:s23], [sflag:$0x1] =	stream.indirect_vreg.gather [hbm4b:s6+s3], $0x80, v3, vm0, $0xb8;
	[tilespmem:$0x19000] =	vst v63  }
0x13d: {  	s0 =	simm.s32 $0x6800  }
0x13e: {  	[tilespmem:s0], [sflag:$0x1] =	stream.indirect_vreg.gather [hbm4b:s7+s3], $0x80, v3, vm0, $0xb8;
	[tilespmem:$0x19000] =	vst v63  }
0x13f: {  	s31 =	simm.s32 $0x7000  }
0x140: {  	[tilespmem:s31], [sflag:$0x1] =	stream.indirect_vreg.gather [hbm4b:s8+s3], $0x80, v3, vm0, $0xb8;
	[tilespmem:$0x19000] =	vst v63  }
0x141: {  	_ = 	snop  }
0x142: {  	[tilespmem:s19], [sflag:$0x1] =	stream.indirect_vreg.gather [hbm4b:s9+s3], $0x80, v3, vm0, $0xb8;
	[tilespmem:$0x19000] =	vst v63  }
0x143: {  	_ = 	snop  }
0x144: {  	[tilespmem:s20], [sflag:$0x1] =	stream.indirect_vreg.gather [hbm4b:s10+s3], $0x80, v3, vm0, $0xb8;
	[tilespmem:$0x19000] =	vst v63  }
0x145: {  	s0 =	simm.s32 $0x8800  }
0x146: {  	[tilespmem:s0], [sflag:$0x1] =	stream.indirect_vreg.gather [hbm4b:s11+s3], $0x80, v3, vm0, $0xb8;
	[tilespmem:$0x19000] =	vst v63  }
0x147: {  	_ =	swait.ge [sflag:s25], $0x8000  }
0x148: {  	[sflag:s25] =	ssyncset.done $0x0  }
0x149: {  	s17 =	sadd.s32 $0x5000, s17;
	[sflag:s25] =	ssyncadd.s32 $0xFFFF8000  }
0x14a: {  	[hbm4b:s17+s3] =	stream.linear.scatter [tilespmem:s22], [sflag:$0x6], $0x8000, $0x38;
	[tilespmem:$0x19000] =	vst v63  }
0x14b: {  	_ =	swait.ge [sflag:s15], $0x8000  }
0x14c: {  	[sflag:s15] =	ssyncset.done $0x0  }
0x14d: {  	[sflag:s15] =	ssyncadd.s32 $0xFFFF8000  }
0x14e: {  	v3 =	vld [tilespmem:s16+$0x0];
	_ =	sdelay $0x4  }
0x14f: {  	v63 =	vshll.u32 v3, $0x4  }
0x150: {  	v3 =	vand.u32 $0x7, v3;
	v4 =	vand.u32 $0xFFFFFF80, v63  }
0x151: {  	v3 =	vor.u32 v3, v4  }
0x152: {  	v4 =	vperm.xlane v3, v0;
	_ =	sdelay $0x1  }
0x153: {  	v4 =	vadd.s32 v1, v4;
	_ =	sdelay $0x4  }
0x154: {  	[tilespmem:s21], [sflag:$0x2] =	stream.indirect_vreg.gather [hbm4b:s2+s3], $0x80, v4, vm0, $0xb8;
	[tilespmem:$0x19000] =	vst v63  }
0x155: {  	s21 =	simm.s32 $0x9800  }
0x156: {  	[tilespmem:s21], [sflag:$0x2] =	stream.indirect_vreg.gather [hbm4b:s5+s3], $0x80, v4, vm0, $0xb8;
	[tilespmem:$0x19000] =	vst v63  }
0x157: {  	s21 =	simm.s32 $0xA000  }
0x158: {  	[tilespmem:s21], [sflag:$0x2] =	stream.indirect_vreg.gather [hbm4b:s6+s3], $0x80, v4, vm0, $0xb8;
	[tilespmem:$0x19000] =	vst v63  }
0x159: {  	s21 =	simm.s32 $0xA800  }
0x15a: {  	[tilespmem:s21], [sflag:$0x2] =	stream.indirect_vreg.gather [hbm4b:s7+s3], $0x80, v4, vm0, $0xb8;
	[tilespmem:$0x19000] =	vst v63  }
0x15b: {  	s21 =	simm.s32 $0xB000  }
0x15c: {  	[tilespmem:s21], [sflag:$0x2] =	stream.indirect_vreg.gather [hbm4b:s8+s3], $0x80, v4, vm0, $0xb8;
	[tilespmem:$0x19000] =	vst v63  }
0x15d: {  	v3 =	vperm.xlane v3, v2;
	s21 =	simm.s32 $0xB800  }
0x15e: {  	[tilespmem:s21], [sflag:$0x2] =	stream.indirect_vreg.gather [hbm4b:s9+s3], $0x80, v4, vm0, $0xb8;
	[tilespmem:$0x19000] =	vst v63  }
0x15f: {  	v3 =	vadd.s32 v1, v3;
	s21 =	simm.s32 $0xC000  }
0x160: {  	[tilespmem:s21], [sflag:$0x2] =	stream.indirect_vreg.gather [hbm4b:s10+s3], $0x80, v4, vm0, $0xb8;
	[tilespmem:$0x19000] =	vst v63  }
0x161: {  	s21 =	simm.s32 $0xC800  }
0x162: {  	[tilespmem:s21], [sflag:$0x2] =	stream.indirect_vreg.gather [hbm4b:s11+s3], $0x80, v4, vm0, $0xb8;
	[tilespmem:$0x19000] =	vst v63  }
0x163: {  	s21 =	simm.s32 $0xD000  }
0x164: {  	[tilespmem:s21], [sflag:$0x2] =	stream.indirect_vreg.gather [hbm4b:s2+s3], $0x80, v3, vm0, $0xb8;
	[tilespmem:$0x19000] =	vst v63  }
0x165: {  	s21 =	simm.s32 $0xD800  }
0x166: {  	[tilespmem:s21], [sflag:$0x2] =	stream.indirect_vreg.gather [hbm4b:s5+s3], $0x80, v3, vm0, $0xb8;
	[tilespmem:$0x19000] =	vst v63  }
0x167: {  	s21 =	simm.s32 $0xE000  }
0x168: {  	[tilespmem:s21], [sflag:$0x2] =	stream.indirect_vreg.gather [hbm4b:s6+s3], $0x80, v3, vm0, $0xb8;
	[tilespmem:$0x19000] =	vst v63  }
0x169: {  	s21 =	simm.s32 $0xE800  }
0x16a: {  	[tilespmem:s21], [sflag:$0x2] =	stream.indirect_vreg.gather [hbm4b:s7+s3], $0x80, v3, vm0, $0xb8;
	[tilespmem:$0x19000] =	vst v63  }
0x16b: {  	s21 =	simm.s32 $0xF000  }
0x16c: {  	[tilespmem:s21], [sflag:$0x2] =	stream.indirect_vreg.gather [hbm4b:s8+s3], $0x80, v3, vm0, $0xb8;
	[tilespmem:$0x19000] =	vst v63  }
0x16d: {  	p0 =	sne.s32 s28, $0x18000;
	s21 =	simm.s32 $0xF800  }
0x16e: {  	[tilespmem:s21], [sflag:$0x2] =	stream.indirect_vreg.gather [hbm4b:s9+s3], $0x80, v3, vm0, $0xb8;
	[tilespmem:$0x19000] =	vst v63  }
.Ltmp0:
0x16f: {  	_ = 	snop;
	(pc) =	sbr.rel @p0 .LBB2_2-.Ltmp0, $4  }
0x170: {  	s28 =	sadd.s32 $0x3000, s28;
	s14 =	simm.s32 $0x1000;
	s21 =	simm.s32 $0x10000  }
0x171: {  	[tilespmem:s21], [sflag:$0x2] =	stream.indirect_vreg.gather [hbm4b:s10+s3], $0x80, v3, vm0, $0xb8;
	[tilespmem:$0x19000] =	vst v63  }
0x172: {  	s17 =	simm.s32 $0x9000;
	s16 =	sadd.s32 $0x180, s16;
	s21 =	simm.s32 $0x10800  }
0x173: {  	[tilespmem:s21], [sflag:$0x2] =	stream.indirect_vreg.gather [hbm4b:s11+s3], $0x80, v3, vm0, $0xb8;
	[tilespmem:$0x19000] =	vst v63  }
0x174: {  	_ =	swait.ge [sflag:s4], $0x8000  }
0x175: {  	[sflag:s4] =	ssyncset.done $0x0  }
0x176: {  	s16 =	rddreg [dreg:$0x9];
	[sflag:s4] =	ssyncadd.s32 $0xFFFF8000  }
0x177: {  	[hbm4b:s16+s3] =	stream.linear.scatter [tilespmem:s14], [sflag:$0x4], $0x8000, $0x38;
	[tilespmem:$0x19000] =	vst v63  }
0x178: {  	_ =	swait.ge [sflag:s26], $0x8000  }
0x179: {  	[sflag:s26] =	ssyncset.done $0x0  }
0x17a: {  	[sflag:s26] =	ssyncadd.s32 $0xFFFF8000  }
0x17b: {  	_ =	swait.ge [sflag:s24], $0x8000  }
0x17c: {  	[sflag:s24] =	ssyncset.done $0x0  }
0x17d: {  	s22 =	rddreg [dreg:$0xa];
	[sflag:s24] =	ssyncadd.s32 $0xFFFF8000  }
0x17e: {  	[hbm4b:s22+s3] =	stream.linear.scatter [tilespmem:s17], [sflag:$0x5], $0x8000, $0x38;
	[tilespmem:$0x19000] =	vst v63  }
0x17f: {  	_ =	swait.ge [sflag:s13], $0x8000  }
0x180: {  	[sflag:s13] =	ssyncset.done $0x0  }
0x181: {  	[sflag:s13] =	ssyncadd.s32 $0xFFFF8000  }
0x182: {  	_ =	swait.ge [sflag:s15], $0x8000  }
0x183: {  	s0 =	rddreg [dreg:$0xc]  }
0x184: {  	s23 =	rddreg [dreg:$0xb];
	s0 =	sadd.s32 $0x1, s0  }
0x185: {  	s12 =	simm.s32 $0x2800;
	s28 =	simm.s32 $0x3000;
	p0 =	sne.s32 s0, s23  }
.Ltmp1:
0x186: {  	s18 =	simm.s32 $0x3800;
	s20 =	simm.s32 $0x4000;
	(pc) =	sbr.rel @p0 .LBB2_1-.Ltmp1, $4  }
0x187: {  	s1 =	simm.s32 $0x4800;
	s21 =	simm.s32 $0x5000;
	s19 =	simm.s32 $0x6000  }
0x188: {  	s30 =	simm.s32 $0x8000;
	s14 =	simm.s32 $0x7800;
	[sflag:s15] =	ssyncset.done $0x0  }
0x189: {  	s17 =	simm.s32 $0x2000;
	s22 =	simm.s32 $0x10800;
	[sflag:s15] =	ssyncadd.s32 $0xFFFF8000  }
0x18a: {  	[dreg:$0xc] =	wrdreg s0;
	s0 =	simm.s32 $0x5800;
	s23 =	simm.s32 $0x6800  }
0x18b: {  	_ =	sfence.sel $0x180000  }
0x18c: {  	[bflag:$0x0] =	sbarrier.arrive $0xFFFF  }
0x18d: {  	_ =	strace $0x90000047  }
0x18e: {  	s0 =	stileid.u32;
	[bflag:$0x2] =	sbarrier.arrive $0xFFFF  }
0x18f: {  	p0 =	sne.s32 s0, $0x0;
	s0 =	rddreg [dreg:$0x3]  }
0x190: {  	s0 =	sadd.s32 @!p0 $0x100000, s0  }
0x191: {  	[sflag:s0] =	ssyncadd.tile.s32 @!p0 $0x1;
	_ =	shalt  }
.Lfunc_end2:
_tile_overlayer_lowered:
.L_overlay_start_2:
0x192: {  	(tag) =	ssettag $0x2  }
0x193: {  	s0 =	rddreg [dreg:$0x0];
	s2 =	stileid.u32  }
0x194: {  	s1 =	rddreg [dreg:$0x1];
	p0 =	sne.s32 s2, $0x0  }
0x195: {  	s3 =	rddreg [dreg:$0x2];
	[bflag:$0x3] =	sbarrier.arrive $0xFFFF;
	s2 =	simm.s32 @!p0 $0x1C07  }
0x196: {  	[timem:s3], [sflag:s2] =	dma.local @!p0 [hbm:s0], s1  }
0x197: {  	s0 =	simm.s32 @!p0 $0x7  }
0x198: {  	_ =	swait.ge @!p0 [sflag:s0], s1  }
0x199: {  	s1 =	ssub.s32 @!p0 $0x0, s1;
	[sflag:s0] =	ssyncset.done @!p0 $0x0  }
0x19a: {  	[sflag:s0] =	ssyncadd.s32 @!p0 s1  }
0x19b: {  	[bflag:$0x3] =	sbarrier.arrive $0xFFFF  }
0x19c: {  	_ =	shalt  }

</sc_bundles>
